<compile_context>
chip_gen: v7x
topology: tpu7x:2x2x1
jax: 0.10.2.dev20260603
libtpu: 0.0.44.dev20260713+nightly
codegen_flags: <defaults>
</compile_context>

<pallas_src>
import functools

import jax
import jax.numpy as jnp
from jax import lax
from jax.experimental import pallas as pl
from jax.experimental.pallas import tpu as pltpu
from jax.experimental.pallas import tpu_sc as plsc

N = 10000
E = 320000
D = 128
H = 64
H2 = 32
F1 = 80

NC = 2
NS = 16
NW = NC * NS
EW = E // NW
C = 125
NCHUNK = EW // C
NP = 10240
RPS = NP // NS


def _make_sc_agg(F: int):
  mesh = plsc.VectorSubcoreMesh(core_axis_name="c", subcore_axis_name="s")

  @functools.partial(
      pl.kernel,
      mesh=mesh,
      compiler_params=pltpu.CompilerParams(use_tc_tiling_on_sc=False),
      out_type=jax.ShapeDtypeStruct((NC, NP, F), jnp.float32),
      scratch_types=[
          pltpu.VMEM((NCHUNK, C), jnp.int32),
          pltpu.VMEM((NCHUNK, C), jnp.int32),
          pltpu.VMEM((C, F), jnp.float32),
          pltpu.VMEM((C, F), jnp.float32),
          pltpu.VMEM((C, F), jnp.float32),
          pltpu.VMEM((C, F), jnp.float32),
          pltpu.VMEM_SHARED((NP, F), jnp.float32),
          pltpu.SemaphoreType.DMA,
          pltpu.SemaphoreType.DMA,
          pltpu.SemaphoreType.DMA,
          pltpu.SemaphoreType.DMA,
      ],
  )
  def sc_agg(y_hbm, src_hbm, dst_hbm, zero_hbm, out_hbm,
             src_w, dst_w, buf0, buf1, buf2, buf3, acc_sh,
             sem0, sem1, sem2, sem3):
    cid = lax.axis_index("c")
    sid = lax.axis_index("s")
    wid = cid * NS + sid
    bufs = (buf0, buf1, buf2, buf3)
    sems = (sem0, sem1, sem2, sem3)

    pltpu.sync_copy(src_hbm.at[wid], src_w)
    pltpu.sync_copy(dst_hbm.at[wid], dst_w)

    rbase = sid * RPS
    pltpu.sync_copy(zero_hbm.at[pl.ds(rbase, RPS)], acc_sh.at[pl.ds(rbase, RPS)])
    plsc.subcore_barrier()

    def body(j, carry):
      i = 4 * j
      handles = [pltpu.async_copy(y_hbm.at[src_w.at[i + k]], bufs[k], sems[k])
                 for k in range(4)]
      for k in range(4):
        handles[k].wait()
        pltpu.sync_copy(bufs[k], acc_sh.at[dst_w.at[i + k]], add=True)
      return carry

    lax.fori_loop(0, NCHUNK // 4, body, 0)
    plsc.subcore_barrier()

    pltpu.sync_copy(acc_sh.at[pl.ds(rbase, RPS)],
                    out_hbm.at[cid, pl.ds(rbase, RPS)])

  return sc_agg


_sc_agg_f1 = _make_sc_agg(F1)
_sc_agg_h2 = _make_sc_agg(H2)


def _tc1_body(x_ref, wl_ref, wr_ref, b_ref, y_ref, z_ref):
  x = x_ref[...]
  yl = jnp.dot(x, wl_ref[...], preferred_element_type=jnp.float32)
  col = lax.broadcasted_iota(jnp.int32, (1, F1), 1)
  y_ref[...] = yl + jnp.where(col == H, 1.0, 0.0)
  z_ref[...] = jnp.dot(x, wr_ref[...], preferred_element_type=jnp.float32) + b_ref[...]


_tc1 = pl.pallas_call(
    _tc1_body,
    out_shape=[jax.ShapeDtypeStruct((N, F1), jnp.float32),
               jax.ShapeDtypeStruct((N, H), jnp.float32)],
)


def _tc2_body(p_ref, z1_ref, wl_ref, wr_ref, b_ref, y2_ref, z2_ref, c_ref):
  agg = p_ref[0, :N] + p_ref[1, :N]
  c = jnp.maximum(agg[:, H:H + 1], 1.0)
  h = jnp.maximum(agg[:, :H] / c + z1_ref[...], 0.0)
  y2_ref[...] = jnp.dot(h, wl_ref[...], preferred_element_type=jnp.float32)
  z2_ref[...] = jnp.dot(h, wr_ref[...], preferred_element_type=jnp.float32) + b_ref[...]
  c_ref[...] = c


_tc2 = pl.pallas_call(
    _tc2_body,
    out_shape=[jax.ShapeDtypeStruct((N, H2), jnp.float32),
               jax.ShapeDtypeStruct((N, H2), jnp.float32),
               jax.ShapeDtypeStruct((N, 1), jnp.float32)],
)


def _tc3_body(p_ref, z2_ref, c_ref, wh_ref, bh_ref, o_ref):
  agg = p_ref[0, :N] + p_ref[1, :N]
  h = jnp.maximum(agg / c_ref[...] + z2_ref[...], 0.0)
  o_ref[...] = jnp.dot(h, wh_ref[...], preferred_element_type=jnp.float32) + bh_ref[...]


_tc3 = pl.pallas_call(
    _tc3_body,
    out_shape=jax.ShapeDtypeStruct((N, 1), jnp.float32),
)


def kernel(x, edge_index, W1l, b1, W1r, W2l, b2, W2r, Wh, bh):
  src3 = edge_index[0].reshape(NW, NCHUNK, C)
  dst3 = edge_index[1].reshape(NW, NCHUNK, C)
  w1lp = jnp.pad(W1l, ((0, 0), (0, F1 - H)))

  y1, z1 = _tc1(x, w1lp, W1r, b1.reshape(1, H))
  p1 = _sc_agg_f1(y1, src3, dst3, jnp.zeros((NP, F1), jnp.float32))
  y2, z2, c = _tc2(p1, z1, W2l, W2r, b2.reshape(1, H2))
  p2 = _sc_agg_h2(y2, src3, dst3, jnp.zeros((NP, H2), jnp.float32))
  out = _tc3(p2, z2, c, Wh, bh.reshape(1, 1))
  return out[:, 0]

# --- scband reference (transcript-rebuilt; emitter-appended) ---
"""Pipeline reference for scband-graph-sageregressor-22531398435179 (READ-ONLY COPY).

The authoritative reference and input builder live on the scoring server;
editing this copy changes nothing except your own understanding.
"""

import jax, jax.numpy as jnp
import numpy as np

N = 10000
E = 320000
D = 128
H = 64
H2 = H // 2

def setup_inputs(seed: int = 0) -> dict:
    key = jax.random.key(seed)
    ks = jax.random.split(key, 12)
    x = jax.random.normal(ks[0], (N, D), dtype=jnp.float32)
    edge_index = jax.random.randint(ks[1], (2, E), 0, N, dtype=jnp.int32)
    W1l = jax.random.normal(ks[2], (D, H), dtype=jnp.float32) / np.sqrt(D)
    b1 = jnp.zeros((H,), dtype=jnp.float32)
    W1r = jax.random.normal(ks[3], (D, H), dtype=jnp.float32) / np.sqrt(D)
    W2l = jax.random.normal(ks[4], (H, H2), dtype=jnp.float32) / np.sqrt(H)
    b2 = jnp.zeros((H2,), dtype=jnp.float32)
    W2r = jax.random.normal(ks[5], (H, H2), dtype=jnp.float32) / np.sqrt(H)
    Wh = jax.random.normal(ks[6], (H2, 1), dtype=jnp.float32) / np.sqrt(H2)
    bh = jnp.zeros((1,), dtype=jnp.float32)
    return {"x": x, "edge_index": edge_index, "W1l": W1l, "b1": b1, "W1r": W1r,
            "W2l": W2l, "b2": b2, "W2r": W2r, "Wh": Wh, "bh": bh}

def _sage_conv(x, src, dst, Wl, b, Wr):
    # PyG-style SAGEConv with mean aggregation:
    # out = lin_l(mean_j x_j) + lin_r(x)
    msg = jnp.take(x, src, axis=0)
    summed = jax.ops.segment_sum(msg, dst, num_segments=N)
    cnt = jax.ops.segment_sum(jnp.ones((src.shape[0],), dtype=x.dtype), dst, num_segments=N)
    mean = summed / jnp.clip(cnt, 1.0, None)[:, None]
    return mean @ Wl + b + x @ Wr

def reference(x, edge_index, W1l, b1, W1r, W2l, b2, W2r, Wh, bh):
    src = edge_index[0]
    dst = edge_index[1]
    h = jax.nn.relu(_sage_conv(x, src, dst, W1l, b1, W1r))
    # dropout p=0.1 is identity in eval mode
    h = jax.nn.relu(_sage_conv(h, src, dst, W2l, b2, W2r))
    out = h @ Wh + bh
    return out[:, 0]

if __name__ == "__main__":
    import jax
    _d = setup_inputs()
    print(jax.jit(kernel)(*tuple(_d.values())))

</pallas_src>

<mosaic_0001>
#map = affine_map<(d0, d1) -> (0, 0)>
#map1 = affine_map<(d0, d1) -> (0, 0, 0)>
module attributes {stable_mosaic.version = 14 : i64} {
  func.func @sc_agg(%arg0: i32, %arg1: i32, %arg2: memref<10000x80xf32, #tpu.memory_space<hbm>>, %arg3: memref<32x80x125xi32, #tpu.memory_space<hbm>>, %arg4: memref<32x80x125xi32, #tpu.memory_space<hbm>>, %arg5: memref<10240x80xf32, #tpu.memory_space<hbm>>, %arg6: memref<2x10240x80xf32, #tpu.memory_space<hbm>>, %arg7: memref<80x125xi32, #tpu.memory_space<vmem>>, %arg8: memref<80x125xi32, #tpu.memory_space<vmem>>, %arg9: memref<125x80xf32, #tpu.memory_space<vmem>>, %arg10: memref<125x80xf32, #tpu.memory_space<vmem>>, %arg11: memref<125x80xf32, #tpu.memory_space<vmem>>, %arg12: memref<125x80xf32, #tpu.memory_space<vmem>>, %arg13: memref<10240x80xf32, #tpu.memory_space<vmem_shared>>, %arg14: memref<!tpu.dma_semaphore, #tpu.memory_space<semaphore_mem>>, %arg15: memref<!tpu.dma_semaphore, #tpu.memory_space<semaphore_mem>>, %arg16: memref<!tpu.dma_semaphore, #tpu.memory_space<semaphore_mem>>, %arg17: memref<!tpu.dma_semaphore, #tpu.memory_space<semaphore_mem>>) attributes {dimension_semantics = [#tpu.dimension_semantics<core_parallel>, #tpu.dimension_semantics<subcore_parallel>], iteration_bounds = array<i64: 2, 16>, scalar_prefetch = 0 : i64, scratch_operands = 11 : i64, tpu.core_type = #tpu.core_type<sc_vector_subcore>, window_params = [{transform_indices = #map}, {transform_indices = #map1}, {transform_indices = #map1}, {transform_indices = #map}, {transform_indices = #map1}]} {
    %mul3A = arith.constant 16 : i32
    %mul3A_0 = arith.muli %arg0, %mul3A : i32
    %add3A = arith.addi %mul3A_0, %arg1 : i32
    "tpu.region"() ({
      %run_scoped3A = tpu.sem_alloc : memref<!tpu.dma_semaphore, #tpu.memory_space<semaphore_mem>>
      %dma_start3A = arith.constant 0 : i32
      %dma_start3A_9 = arith.constant 0 : i32
      %dma_start3A_10 = tpu.memref_slice %arg3[%add3A, %dma_start3A, %dma_start3A_9] : memref<32x80x125xi32, #tpu.memory_space<hbm>> -> memref<1x80x125xi32, #tpu.memory_space<hbm>>
      %dma_start3A_11 = tpu.memref_squeeze %dma_start3A_10 : memref<1x80x125xi32, #tpu.memory_space<hbm>> -> memref<80x125xi32, #tpu.memory_space<hbm>>
      %dma_start3A_12 = arith.constant 0 : i32
      %dma_start3A_13 = arith.constant 0 : i32
      %dma_start3A_14 = tpu.memref_slice %arg3[%add3A, %dma_start3A_12, %dma_start3A_13] : memref<32x80x125xi32, #tpu.memory_space<hbm>> -> memref<1x80x125xi32, #tpu.memory_space<hbm>>
      %dma_start3A_15 = tpu.memref_squeeze %dma_start3A_14 : memref<1x80x125xi32, #tpu.memory_space<hbm>> -> memref<80x125xi32, #tpu.memory_space<hbm>>
      tpu.enqueue_dma source(%dma_start3A_15 : memref<80x125xi32, #tpu.memory_space<hbm>>) target(%arg7 : memref<80x125xi32, #tpu.memory_space<vmem>>) target_semaphore(%run_scoped3A : memref<!tpu.dma_semaphore, #tpu.memory_space<semaphore_mem>>)
      %dma_wait3A = arith.constant 0 : i32
      %dma_wait3A_16 = arith.constant 0 : i32
      %dma_wait3A_17 = tpu.memref_slice %arg3[%add3A, %dma_wait3A, %dma_wait3A_16] : memref<32x80x125xi32, #tpu.memory_space<hbm>> -> memref<1x80x125xi32, #tpu.memory_space<hbm>>
      %dma_wait3A_18 = tpu.memref_squeeze %dma_wait3A_17 : memref<1x80x125xi32, #tpu.memory_space<hbm>> -> memref<80x125xi32, #tpu.memory_space<hbm>>
      %dma_wait3A_19 = arith.constant 0 : i32
      %dma_wait3A_20 = arith.constant 0 : i32
      %dma_wait3A_21 = tpu.memref_slice %arg3[%add3A, %dma_wait3A_19, %dma_wait3A_20] : memref<32x80x125xi32, #tpu.memory_space<hbm>> -> memref<1x80x125xi32, #tpu.memory_space<hbm>>
      %dma_wait3A_22 = tpu.memref_squeeze %dma_wait3A_21 : memref<1x80x125xi32, #tpu.memory_space<hbm>> -> memref<80x125xi32, #tpu.memory_space<hbm>>
      tpu.wait_dma2 semaphore(%run_scoped3A : memref<!tpu.dma_semaphore, #tpu.memory_space<semaphore_mem>>) src(%dma_wait3A_22 : memref<80x125xi32, #tpu.memory_space<hbm>>) dst(%arg7 : memref<80x125xi32, #tpu.memory_space<vmem>>)
      tpu.yield
    }) : () -> ()
    "tpu.region"() ({
      %run_scoped3A = tpu.sem_alloc : memref<!tpu.dma_semaphore, #tpu.memory_space<semaphore_mem>>
      %dma_start3A = arith.constant 0 : i32
      %dma_start3A_9 = arith.constant 0 : i32
      %dma_start3A_10 = tpu.memref_slice %arg4[%add3A, %dma_start3A, %dma_start3A_9] : memref<32x80x125xi32, #tpu.memory_space<hbm>> -> memref<1x80x125xi32, #tpu.memory_space<hbm>>
      %dma_start3A_11 = tpu.memref_squeeze %dma_start3A_10 : memref<1x80x125xi32, #tpu.memory_space<hbm>> -> memref<80x125xi32, #tpu.memory_space<hbm>>
      %dma_start3A_12 = arith.constant 0 : i32
      %dma_start3A_13 = arith.constant 0 : i32
      %dma_start3A_14 = tpu.memref_slice %arg4[%add3A, %dma_start3A_12, %dma_start3A_13] : memref<32x80x125xi32, #tpu.memory_space<hbm>> -> memref<1x80x125xi32, #tpu.memory_space<hbm>>
      %dma_start3A_15 = tpu.memref_squeeze %dma_start3A_14 : memref<1x80x125xi32, #tpu.memory_space<hbm>> -> memref<80x125xi32, #tpu.memory_space<hbm>>
      tpu.enqueue_dma source(%dma_start3A_15 : memref<80x125xi32, #tpu.memory_space<hbm>>) target(%arg8 : memref<80x125xi32, #tpu.memory_space<vmem>>) target_semaphore(%run_scoped3A : memref<!tpu.dma_semaphore, #tpu.memory_space<semaphore_mem>>)
      %dma_wait3A = arith.constant 0 : i32
      %dma_wait3A_16 = arith.constant 0 : i32
      %dma_wait3A_17 = tpu.memref_slice %arg4[%add3A, %dma_wait3A, %dma_wait3A_16] : memref<32x80x125xi32, #tpu.memory_space<hbm>> -> memref<1x80x125xi32, #tpu.memory_space<hbm>>
      %dma_wait3A_18 = tpu.memref_squeeze %dma_wait3A_17 : memref<1x80x125xi32, #tpu.memory_space<hbm>> -> memref<80x125xi32, #tpu.memory_space<hbm>>
      %dma_wait3A_19 = arith.constant 0 : i32
      %dma_wait3A_20 = arith.constant 0 : i32
      %dma_wait3A_21 = tpu.memref_slice %arg4[%add3A, %dma_wait3A_19, %dma_wait3A_20] : memref<32x80x125xi32, #tpu.memory_space<hbm>> -> memref<1x80x125xi32, #tpu.memory_space<hbm>>
      %dma_wait3A_22 = tpu.memref_squeeze %dma_wait3A_21 : memref<1x80x125xi32, #tpu.memory_space<hbm>> -> memref<80x125xi32, #tpu.memory_space<hbm>>
      tpu.wait_dma2 semaphore(%run_scoped3A : memref<!tpu.dma_semaphore, #tpu.memory_space<semaphore_mem>>) src(%dma_wait3A_22 : memref<80x125xi32, #tpu.memory_space<hbm>>) dst(%arg8 : memref<80x125xi32, #tpu.memory_space<vmem>>)
      tpu.yield
    }) : () -> ()
    %mul3A_1 = arith.constant 640 : i32
    %mul3A_2 = arith.muli %arg1, %mul3A_1 : i32
    "tpu.region"() ({
      %run_scoped3A = tpu.sem_alloc : memref<!tpu.dma_semaphore, #tpu.memory_space<semaphore_mem>>
      %dma_start3A = arith.constant 0 : i32
      %dma_start3A_9 = tpu.memref_slice %arg13[%mul3A_2, %dma_start3A] : memref<10240x80xf32, #tpu.memory_space<vmem_shared>> -> memref<640x80xf32, #tpu.memory_space<vmem_shared>>
      %dma_start3A_10 = arith.constant 0 : i32
      %dma_start3A_11 = tpu.memref_slice %arg5[%mul3A_2, %dma_start3A_10] : memref<10240x80xf32, #tpu.memory_space<hbm>> -> memref<640x80xf32, #tpu.memory_space<hbm>>
      tpu.enqueue_dma source(%dma_start3A_11 : memref<640x80xf32, #tpu.memory_space<hbm>>) target(%dma_start3A_9 : memref<640x80xf32, #tpu.memory_space<vmem_shared>>) target_semaphore(%run_scoped3A : memref<!tpu.dma_semaphore, #tpu.memory_space<semaphore_mem>>)
      %dma_wait3A = arith.constant 0 : i32
      %dma_wait3A_12 = tpu.memref_slice %arg13[%mul3A_2, %dma_wait3A] : memref<10240x80xf32, #tpu.memory_space<vmem_shared>> -> memref<640x80xf32, #tpu.memory_space<vmem_shared>>
      %dma_wait3A_13 = arith.constant 0 : i32
      %dma_wait3A_14 = tpu.memref_slice %arg5[%mul3A_2, %dma_wait3A_13] : memref<10240x80xf32, #tpu.memory_space<hbm>> -> memref<640x80xf32, #tpu.memory_space<hbm>>
      tpu.wait_dma2 semaphore(%run_scoped3A : memref<!tpu.dma_semaphore, #tpu.memory_space<semaphore_mem>>) src(%dma_wait3A_14 : memref<640x80xf32, #tpu.memory_space<hbm>>) dst(%dma_wait3A_12 : memref<640x80xf32, #tpu.memory_space<vmem_shared>>)
      tpu.yield
    }) : () -> ()
    %barrier3A = arith.constant 0 : index
    tpu.barrier barrier_id(%barrier3A)
    %scan3A = arith.constant 0 : i32
    %scan3A_3 = arith.constant 0 : i32
    %scan3A_4 = arith.constant 20 : i32
    %scan3A_5 = arith.addi %scan3A_3, %scan3A_4 : i32
    %scan3A_6 = arith.constant 1 : i32
    scf.for %scan3A_9 = %scan3A_3 to %scan3A_5 step %scan3A_6  : i32 {
      %mul3A_10 = arith.constant 4 : i32
      %mul3A_11 = arith.muli %mul3A_10, %scan3A_9 : i32
      %add3A_12 = arith.constant 0 : i32
      %add3A_13 = arith.addi %mul3A_11, %add3A_12 : i32
      %dma_start3A = arith.constant 0 : i32
      %dma_start3A_14 = tpu.memref_slice %arg7[%add3A_13, %dma_start3A] : memref<80x125xi32, #tpu.memory_space<vmem>> -> memref<1x125xi32, #tpu.memory_space<vmem>>
      %dma_start3A_15 = tpu.memref_squeeze %dma_start3A_14 : memref<1x125xi32, #tpu.memory_space<vmem>> -> memref<125xi32, #tpu.memory_space<vmem>>
      %dma_start3A_16 = arith.constant 0 : i32
      %dma_start3A_17 = arith.constant 0 : i32
      %dma_start3A_18 = tpu.memref_slice %arg2[%dma_start3A_16, %dma_start3A_17] : memref<10000x80xf32, #tpu.memory_space<hbm>> -> memref<10000x80xf32, #tpu.memory_space<hbm>>
      tpu.enqueue_indirect_dma source(%dma_start3A_18 : memref<10000x80xf32, #tpu.memory_space<hbm>>) target(%arg9 : memref<125x80xf32, #tpu.memory_space<vmem>>) offsets(%dma_start3A_15 : memref<125xi32, #tpu.memory_space<vmem>>) semaphore(%arg14 : memref<!tpu.dma_semaphore, #tpu.memory_space<semaphore_mem>>)
      %add3A_19 = arith.constant 1 : i32
      %add3A_20 = arith.addi %mul3A_11, %add3A_19 : i32
      %dma_start3A_21 = arith.constant 0 : i32
      %dma_start3A_22 = tpu.memref_slice %arg7[%add3A_20, %dma_start3A_21] : memref<80x125xi32, #tpu.memory_space<vmem>> -> memref<1x125xi32, #tpu.memory_space<vmem>>
      %dma_start3A_23 = tpu.memref_squeeze %dma_start3A_22 : memref<1x125xi32, #tpu.memory_space<vmem>> -> memref<125xi32, #tpu.memory_space<vmem>>
      %dma_start3A_24 = arith.constant 0 : i32
      %dma_start3A_25 = arith.constant 0 : i32
      %dma_start3A_26 = tpu.memref_slice %arg2[%dma_start3A_24, %dma_start3A_25] : memref<10000x80xf32, #tpu.memory_space<hbm>> -> memref<10000x80xf32, #tpu.memory_space<hbm>>
      tpu.enqueue_indirect_dma source(%dma_start3A_26 : memref<10000x80xf32, #tpu.memory_space<hbm>>) target(%arg10 : memref<125x80xf32, #tpu.memory_space<vmem>>) offsets(%dma_start3A_23 : memref<125xi32, #tpu.memory_space<vmem>>) semaphore(%arg15 : memref<!tpu.dma_semaphore, #tpu.memory_space<semaphore_mem>>)
      %add3A_27 = arith.constant 2 : i32
      %add3A_28 = arith.addi %mul3A_11, %add3A_27 : i32
      %dma_start3A_29 = arith.constant 0 : i32
      %dma_start3A_30 = tpu.memref_slice %arg7[%add3A_28, %dma_start3A_29] : memref<80x125xi32, #tpu.memory_space<vmem>> -> memref<1x125xi32, #tpu.memory_space<vmem>>
      %dma_start3A_31 = tpu.memref_squeeze %dma_start3A_30 : memref<1x125xi32, #tpu.memory_space<vmem>> -> memref<125xi32, #tpu.memory_space<vmem>>
      %dma_start3A_32 = arith.constant 0 : i32
      %dma_start3A_33 = arith.constant 0 : i32
      %dma_start3A_34 = tpu.memref_slice %arg2[%dma_start3A_32, %dma_start3A_33] : memref<10000x80xf32, #tpu.memory_space<hbm>> -> memref<10000x80xf32, #tpu.memory_space<hbm>>
      tpu.enqueue_indirect_dma source(%dma_start3A_34 : memref<10000x80xf32, #tpu.memory_space<hbm>>) target(%arg11 : memref<125x80xf32, #tpu.memory_space<vmem>>) offsets(%dma_start3A_31 : memref<125xi32, #tpu.memory_space<vmem>>) semaphore(%arg16 : memref<!tpu.dma_semaphore, #tpu.memory_space<semaphore_mem>>)
      %add3A_35 = arith.constant 3 : i32
      %add3A_36 = arith.addi %mul3A_11, %add3A_35 : i32
      %dma_start3A_37 = arith.constant 0 : i32
      %dma_start3A_38 = tpu.memref_slice %arg7[%add3A_36, %dma_start3A_37] : memref<80x125xi32, #tpu.memory_space<vmem>> -> memref<1x125xi32, #tpu.memory_space<vmem>>
      %dma_start3A_39 = tpu.memref_squeeze %dma_start3A_38 : memref<1x125xi32, #tpu.memory_space<vmem>> -> memref<125xi32, #tpu.memory_space<vmem>>
      %dma_start3A_40 = arith.constant 0 : i32
      %dma_start3A_41 = arith.constant 0 : i32
      %dma_start3A_42 = tpu.memref_slice %arg2[%dma_start3A_40, %dma_start3A_41] : memref<10000x80xf32, #tpu.memory_space<hbm>> -> memref<10000x80xf32, #tpu.memory_space<hbm>>
      tpu.enqueue_indirect_dma source(%dma_start3A_42 : memref<10000x80xf32, #tpu.memory_space<hbm>>) target(%arg12 : memref<125x80xf32, #tpu.memory_space<vmem>>) offsets(%dma_start3A_39 : memref<125xi32, #tpu.memory_space<vmem>>) semaphore(%arg17 : memref<!tpu.dma_semaphore, #tpu.memory_space<semaphore_mem>>)
      %dma_wait3A = arith.constant 0 : i32
      %dma_wait3A_43 = tpu.memref_slice %arg7[%add3A_13, %dma_wait3A] : memref<80x125xi32, #tpu.memory_space<vmem>> -> memref<1x125xi32, #tpu.memory_space<vmem>>
      %dma_wait3A_44 = tpu.memref_squeeze %dma_wait3A_43 : memref<1x125xi32, #tpu.memory_space<vmem>> -> memref<125xi32, #tpu.memory_space<vmem>>
      %dma_wait3A_45 = arith.constant 0 : i32
      %dma_wait3A_46 = arith.constant 0 : i32
      %dma_wait3A_47 = tpu.memref_slice %arg2[%dma_wait3A_45, %dma_wait3A_46] : memref<10000x80xf32, #tpu.memory_space<hbm>> -> memref<10000x80xf32, #tpu.memory_space<hbm>>
      tpu.wait_indirect_dma semaphore(%arg14 : memref<!tpu.dma_semaphore, #tpu.memory_space<semaphore_mem>>) src(%dma_wait3A_47 : memref<10000x80xf32, #tpu.memory_space<hbm>>) dst(%arg9 : memref<125x80xf32, #tpu.memory_space<vmem>>)
      %add3A_48 = arith.constant 0 : i32
      %add3A_49 = arith.addi %mul3A_11, %add3A_48 : i32
      "tpu.region"() ({
        %run_scoped3A = tpu.sem_alloc : memref<!tpu.dma_semaphore, #tpu.memory_space<semaphore_mem>>
        %dma_start3A_74 = arith.constant 0 : i32
        %dma_start3A_75 = tpu.memref_slice %arg8[%add3A_49, %dma_start3A_74] : memref<80x125xi32, #tpu.memory_space<vmem>> -> memref<1x125xi32, #tpu.memory_space<vmem>>
        %dma_start3A_76 = tpu.memref_squeeze %dma_start3A_75 : memref<1x125xi32, #tpu.memory_space<vmem>> -> memref<125xi32, #tpu.memory_space<vmem>>
        %dma_start3A_77 = arith.constant 0 : i32
        %dma_start3A_78 = arith.constant 0 : i32
        %dma_start3A_79 = tpu.memref_slice %arg13[%dma_start3A_77, %dma_start3A_78] : memref<10240x80xf32, #tpu.memory_space<vmem_shared>> -> memref<10240x80xf32, #tpu.memory_space<vmem_shared>>
        tpu.enqueue_indirect_dma source(%arg9 : memref<125x80xf32, #tpu.memory_space<vmem>>) target(%dma_start3A_79 : memref<10240x80xf32, #tpu.memory_space<vmem_shared>>) offsets(%dma_start3A_76 : memref<125xi32, #tpu.memory_space<vmem>>) semaphore(%run_scoped3A : memref<!tpu.dma_semaphore, #tpu.memory_space<semaphore_mem>>) {add = true}
        %dma_wait3A_80 = arith.constant 0 : i32
        %dma_wait3A_81 = tpu.memref_slice %arg8[%add3A_49, %dma_wait3A_80] : memref<80x125xi32, #tpu.memory_space<vmem>> -> memref<1x125xi32, #tpu.memory_space<vmem>>
        %dma_wait3A_82 = tpu.memref_squeeze %dma_wait3A_81 : memref<1x125xi32, #tpu.memory_space<vmem>> -> memref<125xi32, #tpu.memory_space<vmem>>
        %dma_wait3A_83 = arith.constant 0 : i32
        %dma_wait3A_84 = arith.constant 0 : i32
        %dma_wait3A_85 = tpu.memref_slice %arg13[%dma_wait3A_83, %dma_wait3A_84] : memref<10240x80xf32, #tpu.memory_space<vmem_shared>> -> memref<10240x80xf32, #tpu.memory_space<vmem_shared>>
        tpu.wait_indirect_dma semaphore(%run_scoped3A : memref<!tpu.dma_semaphore, #tpu.memory_space<semaphore_mem>>) src(%arg9 : memref<125x80xf32, #tpu.memory_space<vmem>>) dst(%dma_wait3A_85 : memref<10240x80xf32, #tpu.memory_space<vmem_shared>>)
        tpu.yield
      }) : () -> ()
      %dma_wait3A_50 = arith.constant 0 : i32
      %dma_wait3A_51 = tpu.memref_slice %arg7[%add3A_20, %dma_wait3A_50] : memref<80x125xi32, #tpu.memory_space<vmem>> -> memref<1x125xi32, #tpu.memory_space<vmem>>
      %dma_wait3A_52 = tpu.memref_squeeze %dma_wait3A_51 : memref<1x125xi32, #tpu.memory_space<vmem>> -> memref<125xi32, #tpu.memory_space<vmem>>
      %dma_wait3A_53 = arith.constant 0 : i32
      %dma_wait3A_54 = arith.constant 0 : i32
      %dma_wait3A_55 = tpu.memref_slice %arg2[%dma_wait3A_53, %dma_wait3A_54] : memref<10000x80xf32, #tpu.memory_space<hbm>> -> memref<10000x80xf32, #tpu.memory_space<hbm>>
      tpu.wait_indirect_dma semaphore(%arg15 : memref<!tpu.dma_semaphore, #tpu.memory_space<semaphore_mem>>) src(%dma_wait3A_55 : memref<10000x80xf32, #tpu.memory_space<hbm>>) dst(%arg10 : memref<125x80xf32, #tpu.memory_space<vmem>>)
      %add3A_56 = arith.constant 1 : i32
      %add3A_57 = arith.addi %mul3A_11, %add3A_56 : i32
      "tpu.region"() ({
        %run_scoped3A = tpu.sem_alloc : memref<!tpu.dma_semaphore, #tpu.memory_space<semaphore_mem>>
        %dma_start3A_74 = arith.constant 0 : i32
        %dma_start3A_75 = tpu.memref_slice %arg8[%add3A_57, %dma_start3A_74] : memref<80x125xi32, #tpu.memory_space<vmem>> -> memref<1x125xi32, #tpu.memory_space<vmem>>
        %dma_start3A_76 = tpu.memref_squeeze %dma_start3A_75 : memref<1x125xi32, #tpu.memory_space<vmem>> -> memref<125xi32, #tpu.memory_space<vmem>>
        %dma_start3A_77 = arith.constant 0 : i32
        %dma_start3A_78 = arith.constant 0 : i32
        %dma_start3A_79 = tpu.memref_slice %arg13[%dma_start3A_77, %dma_start3A_78] : memref<10240x80xf32, #tpu.memory_space<vmem_shared>> -> memref<10240x80xf32, #tpu.memory_space<vmem_shared>>
        tpu.enqueue_indirect_dma source(%arg10 : memref<125x80xf32, #tpu.memory_space<vmem>>) target(%dma_start3A_79 : memref<10240x80xf32, #tpu.memory_space<vmem_shared>>) offsets(%dma_start3A_76 : memref<125xi32, #tpu.memory_space<vmem>>) semaphore(%run_scoped3A : memref<!tpu.dma_semaphore, #tpu.memory_space<semaphore_mem>>) {add = true}
        %dma_wait3A_80 = arith.constant 0 : i32
        %dma_wait3A_81 = tpu.memref_slice %arg8[%add3A_57, %dma_wait3A_80] : memref<80x125xi32, #tpu.memory_space<vmem>> -> memref<1x125xi32, #tpu.memory_space<vmem>>
        %dma_wait3A_82 = tpu.memref_squeeze %dma_wait3A_81 : memref<1x125xi32, #tpu.memory_space<vmem>> -> memref<125xi32, #tpu.memory_space<vmem>>
        %dma_wait3A_83 = arith.constant 0 : i32
        %dma_wait3A_84 = arith.constant 0 : i32
        %dma_wait3A_85 = tpu.memref_slice %arg13[%dma_wait3A_83, %dma_wait3A_84] : memref<10240x80xf32, #tpu.memory_space<vmem_shared>> -> memref<10240x80xf32, #tpu.memory_space<vmem_shared>>
        tpu.wait_indirect_dma semaphore(%run_scoped3A : memref<!tpu.dma_semaphore, #tpu.memory_space<semaphore_mem>>) src(%arg10 : memref<125x80xf32, #tpu.memory_space<vmem>>) dst(%dma_wait3A_85 : memref<10240x80xf32, #tpu.memory_space<vmem_shared>>)
        tpu.yield
      }) : () -> ()
      %dma_wait3A_58 = arith.constant 0 : i32
      %dma_wait3A_59 = tpu.memref_slice %arg7[%add3A_28, %dma_wait3A_58] : memref<80x125xi32, #tpu.memory_space<vmem>> -> memref<1x125xi32, #tpu.memory_space<vmem>>
      %dma_wait3A_60 = tpu.memref_squeeze %dma_wait3A_59 : memref<1x125xi32, #tpu.memory_space<vmem>> -> memref<125xi32, #tpu.memory_space<vmem>>
      %dma_wait3A_61 = arith.constant 0 : i32
      %dma_wait3A_62 = arith.constant 0 : i32
      %dma_wait3A_63 = tpu.memref_slice %arg2[%dma_wait3A_61, %dma_wait3A_62] : memref<10000x80xf32, #tpu.memory_space<hbm>> -> memref<10000x80xf32, #tpu.memory_space<hbm>>
      tpu.wait_indirect_dma semaphore(%arg16 : memref<!tpu.dma_semaphore, #tpu.memory_space<semaphore_mem>>) src(%dma_wait3A_63 : memref<10000x80xf32, #tpu.memory_space<hbm>>) dst(%arg11 : memref<125x80xf32, #tpu.memory_space<vmem>>)
      %add3A_64 = arith.constant 2 : i32
      %add3A_65 = arith.addi %mul3A_11, %add3A_64 : i32
      "tpu.region"() ({
        %run_scoped3A = tpu.sem_alloc : memref<!tpu.dma_semaphore, #tpu.memory_space<semaphore_mem>>
        %dma_start3A_74 = arith.constant 0 : i32
        %dma_start3A_75 = tpu.memref_slice %arg8[%add3A_65, %dma_start3A_74] : memref<80x125xi32, #tpu.memory_space<vmem>> -> memref<1x125xi32, #tpu.memory_space<vmem>>
        %dma_start3A_76 = tpu.memref_squeeze %dma_start3A_75 : memref<1x125xi32, #tpu.memory_space<vmem>> -> memref<125xi32, #tpu.memory_space<vmem>>
        %dma_start3A_77 = arith.constant 0 : i32
        %dma_start3A_78 = arith.constant 0 : i32
        %dma_start3A_79 = tpu.memref_slice %arg13[%dma_start3A_77, %dma_start3A_78] : memref<10240x80xf32, #tpu.memory_space<vmem_shared>> -> memref<10240x80xf32, #tpu.memory_space<vmem_shared>>
        tpu.enqueue_indirect_dma source(%arg11 : memref<125x80xf32, #tpu.memory_space<vmem>>) target(%dma_start3A_79 : memref<10240x80xf32, #tpu.memory_space<vmem_shared>>) offsets(%dma_start3A_76 : memref<125xi32, #tpu.memory_space<vmem>>) semaphore(%run_scoped3A : memref<!tpu.dma_semaphore, #tpu.memory_space<semaphore_mem>>) {add = true}
        %dma_wait3A_80 = arith.constant 0 : i32
        %dma_wait3A_81 = tpu.memref_slice %arg8[%add3A_65, %dma_wait3A_80] : memref<80x125xi32, #tpu.memory_space<vmem>> -> memref<1x125xi32, #tpu.memory_space<vmem>>
        %dma_wait3A_82 = tpu.memref_squeeze %dma_wait3A_81 : memref<1x125xi32, #tpu.memory_space<vmem>> -> memref<125xi32, #tpu.memory_space<vmem>>
        %dma_wait3A_83 = arith.constant 0 : i32
        %dma_wait3A_84 = arith.constant 0 : i32
        %dma_wait3A_85 = tpu.memref_slice %arg13[%dma_wait3A_83, %dma_wait3A_84] : memref<10240x80xf32, #tpu.memory_space<vmem_shared>> -> memref<10240x80xf32, #tpu.memory_space<vmem_shared>>
        tpu.wait_indirect_dma semaphore(%run_scoped3A : memref<!tpu.dma_semaphore, #tpu.memory_space<semaphore_mem>>) src(%arg11 : memref<125x80xf32, #tpu.memory_space<vmem>>) dst(%dma_wait3A_85 : memref<10240x80xf32, #tpu.memory_space<vmem_shared>>)
        tpu.yield
      }) : () -> ()
      %dma_wait3A_66 = arith.constant 0 : i32
      %dma_wait3A_67 = tpu.memref_slice %arg7[%add3A_36, %dma_wait3A_66] : memref<80x125xi32, #tpu.memory_space<vmem>> -> memref<1x125xi32, #tpu.memory_space<vmem>>
      %dma_wait3A_68 = tpu.memref_squeeze %dma_wait3A_67 : memref<1x125xi32, #tpu.memory_space<vmem>> -> memref<125xi32, #tpu.memory_space<vmem>>
      %dma_wait3A_69 = arith.constant 0 : i32
      %dma_wait3A_70 = arith.constant 0 : i32
      %dma_wait3A_71 = tpu.memref_slice %arg2[%dma_wait3A_69, %dma_wait3A_70] : memref<10000x80xf32, #tpu.memory_space<hbm>> -> memref<10000x80xf32, #tpu.memory_space<hbm>>
      tpu.wait_indirect_dma semaphore(%arg17 : memref<!tpu.dma_semaphore, #tpu.memory_space<semaphore_mem>>) src(%dma_wait3A_71 : memref<10000x80xf32, #tpu.memory_space<hbm>>) dst(%arg12 : memref<125x80xf32, #tpu.memory_space<vmem>>)
      %add3A_72 = arith.constant 3 : i32
      %add3A_73 = arith.addi %mul3A_11, %add3A_72 : i32
      "tpu.region"() ({
        %run_scoped3A = tpu.sem_alloc : memref<!tpu.dma_semaphore, #tpu.memory_space<semaphore_mem>>
        %dma_start3A_74 = arith.constant 0 : i32
        %dma_start3A_75 = tpu.memref_slice %arg8[%add3A_73, %dma_start3A_74] : memref<80x125xi32, #tpu.memory_space<vmem>> -> memref<1x125xi32, #tpu.memory_space<vmem>>
        %dma_start3A_76 = tpu.memref_squeeze %dma_start3A_75 : memref<1x125xi32, #tpu.memory_space<vmem>> -> memref<125xi32, #tpu.memory_space<vmem>>
        %dma_start3A_77 = arith.constant 0 : i32
        %dma_start3A_78 = arith.constant 0 : i32
        %dma_start3A_79 = tpu.memref_slice %arg13[%dma_start3A_77, %dma_start3A_78] : memref<10240x80xf32, #tpu.memory_space<vmem_shared>> -> memref<10240x80xf32, #tpu.memory_space<vmem_shared>>
        tpu.enqueue_indirect_dma source(%arg12 : memref<125x80xf32, #tpu.memory_space<vmem>>) target(%dma_start3A_79 : memref<10240x80xf32, #tpu.memory_space<vmem_shared>>) offsets(%dma_start3A_76 : memref<125xi32, #tpu.memory_space<vmem>>) semaphore(%run_scoped3A : memref<!tpu.dma_semaphore, #tpu.memory_space<semaphore_mem>>) {add = true}
        %dma_wait3A_80 = arith.constant 0 : i32
        %dma_wait3A_81 = tpu.memref_slice %arg8[%add3A_73, %dma_wait3A_80] : memref<80x125xi32, #tpu.memory_space<vmem>> -> memref<1x125xi32, #tpu.memory_space<vmem>>
        %dma_wait3A_82 = tpu.memref_squeeze %dma_wait3A_81 : memref<1x125xi32, #tpu.memory_space<vmem>> -> memref<125xi32, #tpu.memory_space<vmem>>
        %dma_wait3A_83 = arith.constant 0 : i32
        %dma_wait3A_84 = arith.constant 0 : i32
        %dma_wait3A_85 = tpu.memref_slice %arg13[%dma_wait3A_83, %dma_wait3A_84] : memref<10240x80xf32, #tpu.memory_space<vmem_shared>> -> memref<10240x80xf32, #tpu.memory_space<vmem_shared>>
        tpu.wait_indirect_dma semaphore(%run_scoped3A : memref<!tpu.dma_semaphore, #tpu.memory_space<semaphore_mem>>) src(%arg12 : memref<125x80xf32, #tpu.memory_space<vmem>>) dst(%dma_wait3A_85 : memref<10240x80xf32, #tpu.memory_space<vmem_shared>>)
        tpu.yield
      }) : () -> ()
    }
    %scan3A_7 = arith.constant 20 : i32
    %barrier3A_8 = arith.constant 0 : index
    tpu.barrier barrier_id(%barrier3A_8)
    "tpu.region"() ({
      %run_scoped3A = tpu.sem_alloc : memref<!tpu.dma_semaphore, #tpu.memory_space<semaphore_mem>>
      %dma_start3A = arith.constant 0 : i32
      %dma_start3A_9 = tpu.memref_slice %arg6[%arg0, %mul3A_2, %dma_start3A] : memref<2x10240x80xf32, #tpu.memory_space<hbm>> -> memref<1x640x80xf32, #tpu.memory_space<hbm>>
      %dma_start3A_10 = tpu.memref_squeeze %dma_start3A_9 : memref<1x640x80xf32, #tpu.memory_space<hbm>> -> memref<640x80xf32, #tpu.memory_space<hbm>>
      %dma_start3A_11 = arith.constant 0 : i32
      %dma_start3A_12 = tpu.memref_slice %arg13[%mul3A_2, %dma_start3A_11] : memref<10240x80xf32, #tpu.memory_space<vmem_shared>> -> memref<640x80xf32, #tpu.memory_space<vmem_shared>>
      tpu.enqueue_dma source(%dma_start3A_12 : memref<640x80xf32, #tpu.memory_space<vmem_shared>>) target(%dma_start3A_10 : memref<640x80xf32, #tpu.memory_space<hbm>>) target_semaphore(%run_scoped3A : memref<!tpu.dma_semaphore, #tpu.memory_space<semaphore_mem>>)
      %dma_wait3A = arith.constant 0 : i32
      %dma_wait3A_13 = tpu.memref_slice %arg6[%arg0, %mul3A_2, %dma_wait3A] : memref<2x10240x80xf32, #tpu.memory_space<hbm>> -> memref<1x640x80xf32, #tpu.memory_space<hbm>>
      %dma_wait3A_14 = tpu.memref_squeeze %dma_wait3A_13 : memref<1x640x80xf32, #tpu.memory_space<hbm>> -> memref<640x80xf32, #tpu.memory_space<hbm>>
      %dma_wait3A_15 = arith.constant 0 : i32
      %dma_wait3A_16 = tpu.memref_slice %arg13[%mul3A_2, %dma_wait3A_15] : memref<10240x80xf32, #tpu.memory_space<vmem_shared>> -> memref<640x80xf32, #tpu.memory_space<vmem_shared>>
      tpu.wait_dma2 semaphore(%run_scoped3A : memref<!tpu.dma_semaphore, #tpu.memory_space<semaphore_mem>>) src(%dma_wait3A_16 : memref<640x80xf32, #tpu.memory_space<vmem_shared>>) dst(%dma_wait3A_14 : memref<640x80xf32, #tpu.memory_space<hbm>>)
      tpu.yield
    }) : () -> ()
    return
  }
}

#map = affine_map<(d0, d1) -> (0, 0)>
#map1 = affine_map<(d0, d1) -> (0, 0, 0)>
module attributes {stable_mosaic.version = 14 : i64} {
  func.func @sc_agg(%arg0: i32, %arg1: i32, %arg2: memref<10000x32xf32, #tpu.memory_space<hbm>>, %arg3: memref<32x80x125xi32, #tpu.memory_space<hbm>>, %arg4: memref<32x80x125xi32, #tpu.memory_space<hbm>>, %arg5: memref<10240x32xf32, #tpu.memory_space<hbm>>, %arg6: memref<2x10240x32xf32, #tpu.memory_space<hbm>>, %arg7: memref<80x125xi32, #tpu.memory_space<vmem>>, %arg8: memref<80x125xi32, #tpu.memory_space<vmem>>, %arg9: memref<125x32xf32, #tpu.memory_space<vmem>>, %arg10: memref<125x32xf32, #tpu.memory_space<vmem>>, %arg11: memref<125x32xf32, #tpu.memory_space<vmem>>, %arg12: memref<125x32xf32, #tpu.memory_space<vmem>>, %arg13: memref<10240x32xf32, #tpu.memory_space<vmem_shared>>, %arg14: memref<!tpu.dma_semaphore, #tpu.memory_space<semaphore_mem>>, %arg15: memref<!tpu.dma_semaphore, #tpu.memory_space<semaphore_mem>>, %arg16: memref<!tpu.dma_semaphore, #tpu.memory_space<semaphore_mem>>, %arg17: memref<!tpu.dma_semaphore, #tpu.memory_space<semaphore_mem>>) attributes {dimension_semantics = [#tpu.dimension_semantics<core_parallel>, #tpu.dimension_semantics<subcore_parallel>], iteration_bounds = array<i64: 2, 16>, scalar_prefetch = 0 : i64, scratch_operands = 11 : i64, tpu.core_type = #tpu.core_type<sc_vector_subcore>, window_params = [{transform_indices = #map}, {transform_indices = #map1}, {transform_indices = #map1}, {transform_indices = #map}, {transform_indices = #map1}]} {
    %mul3A = arith.constant 16 : i32
    %mul3A_0 = arith.muli %arg0, %mul3A : i32
    %add3A = arith.addi %mul3A_0, %arg1 : i32
    "tpu.region"() ({
      %run_scoped3A = tpu.sem_alloc : memref<!tpu.dma_semaphore, #tpu.memory_space<semaphore_mem>>
      %dma_start3A = arith.constant 0 : i32
      %dma_start3A_9 = arith.constant 0 : i32
      %dma_start3A_10 = tpu.memref_slice %arg3[%add3A, %dma_start3A, %dma_start3A_9] : memref<32x80x125xi32, #tpu.memory_space<hbm>> -> memref<1x80x125xi32, #tpu.memory_space<hbm>>
      %dma_start3A_11 = tpu.memref_squeeze %dma_start3A_10 : memref<1x80x125xi32, #tpu.memory_space<hbm>> -> memref<80x125xi32, #tpu.memory_space<hbm>>
      %dma_start3A_12 = arith.constant 0 : i32
      %dma_start3A_13 = arith.constant 0 : i32
      %dma_start3A_14 = tpu.memref_slice %arg3[%add3A, %dma_start3A_12, %dma_start3A_13] : memref<32x80x125xi32, #tpu.memory_space<hbm>> -> memref<1x80x125xi32, #tpu.memory_space<hbm>>
      %dma_start3A_15 = tpu.memref_squeeze %dma_start3A_14 : memref<1x80x125xi32, #tpu.memory_space<hbm>> -> memref<80x125xi32, #tpu.memory_space<hbm>>
      tpu.enqueue_dma source(%dma_start3A_15 : memref<80x125xi32, #tpu.memory_space<hbm>>) target(%arg7 : memref<80x125xi32, #tpu.memory_space<vmem>>) target_semaphore(%run_scoped3A : memref<!tpu.dma_semaphore, #tpu.memory_space<semaphore_mem>>)
      %dma_wait3A = arith.constant 0 : i32
      %dma_wait3A_16 = arith.constant 0 : i32
      %dma_wait3A_17 = tpu.memref_slice %arg3[%add3A, %dma_wait3A, %dma_wait3A_16] : memref<32x80x125xi32, #tpu.memory_space<hbm>> -> memref<1x80x125xi32, #tpu.memory_space<hbm>>
      %dma_wait3A_18 = tpu.memref_squeeze %dma_wait3A_17 : memref<1x80x125xi32, #tpu.memory_space<hbm>> -> memref<80x125xi32, #tpu.memory_space<hbm>>
      %dma_wait3A_19 = arith.constant 0 : i32
      %dma_wait3A_20 = arith.constant 0 : i32
      %dma_wait3A_21 = tpu.memref_slice %arg3[%add3A, %dma_wait3A_19, %dma_wait3A_20] : memref<32x80x125xi32, #tpu.memory_space<hbm>> -> memref<1x80x125xi32, #tpu.memory_space<hbm>>
      %dma_wait3A_22 = tpu.memref_squeeze %dma_wait3A_21 : memref<1x80x125xi32, #tpu.memory_space<hbm>> -> memref<80x125xi32, #tpu.memory_space<hbm>>
      tpu.wait_dma2 semaphore(%run_scoped3A : memref<!tpu.dma_semaphore, #tpu.memory_space<semaphore_mem>>) src(%dma_wait3A_22 : memref<80x125xi32, #tpu.memory_space<hbm>>) dst(%arg7 : memref<80x125xi32, #tpu.memory_space<vmem>>)
      tpu.yield
    }) : () -> ()
    "tpu.region"() ({
      %run_scoped3A = tpu.sem_alloc : memref<!tpu.dma_semaphore, #tpu.memory_space<semaphore_mem>>
      %dma_start3A = arith.constant 0 : i32
      %dma_start3A_9 = arith.constant 0 : i32
      %dma_start3A_10 = tpu.memref_slice %arg4[%add3A, %dma_start3A, %dma_start3A_9] : memref<32x80x125xi32, #tpu.memory_space<hbm>> -> memref<1x80x125xi32, #tpu.memory_space<hbm>>
      %dma_start3A_11 = tpu.memref_squeeze %dma_start3A_10 : memref<1x80x125xi32, #tpu.memory_space<hbm>> -> memref<80x125xi32, #tpu.memory_space<hbm>>
      %dma_start3A_12 = arith.constant 0 : i32
      %dma_start3A_13 = arith.constant 0 : i32
      %dma_start3A_14 = tpu.memref_slice %arg4[%add3A, %dma_start3A_12, %dma_start3A_13] : memref<32x80x125xi32, #tpu.memory_space<hbm>> -> memref<1x80x125xi32, #tpu.memory_space<hbm>>
      %dma_start3A_15 = tpu.memref_squeeze %dma_start3A_14 : memref<1x80x125xi32, #tpu.memory_space<hbm>> -> memref<80x125xi32, #tpu.memory_space<hbm>>
      tpu.enqueue_dma source(%dma_start3A_15 : memref<80x125xi32, #tpu.memory_space<hbm>>) target(%arg8 : memref<80x125xi32, #tpu.memory_space<vmem>>) target_semaphore(%run_scoped3A : memref<!tpu.dma_semaphore, #tpu.memory_space<semaphore_mem>>)
      %dma_wait3A = arith.constant 0 : i32
      %dma_wait3A_16 = arith.constant 0 : i32
      %dma_wait3A_17 = tpu.memref_slice %arg4[%add3A, %dma_wait3A, %dma_wait3A_16] : memref<32x80x125xi32, #tpu.memory_space<hbm>> -> memref<1x80x125xi32, #tpu.memory_space<hbm>>
      %dma_wait3A_18 = tpu.memref_squeeze %dma_wait3A_17 : memref<1x80x125xi32, #tpu.memory_space<hbm>> -> memref<80x125xi32, #tpu.memory_space<hbm>>
      %dma_wait3A_19 = arith.constant 0 : i32
      %dma_wait3A_20 = arith.constant 0 : i32
      %dma_wait3A_21 = tpu.memref_slice %arg4[%add3A, %dma_wait3A_19, %dma_wait3A_20] : memref<32x80x125xi32, #tpu.memory_space<hbm>> -> memref<1x80x125xi32, #tpu.memory_space<hbm>>
      %dma_wait3A_22 = tpu.memref_squeeze %dma_wait3A_21 : memref<1x80x125xi32, #tpu.memory_space<hbm>> -> memref<80x125xi32, #tpu.memory_space<hbm>>
      tpu.wait_dma2 semaphore(%run_scoped3A : memref<!tpu.dma_semaphore, #tpu.memory_space<semaphore_mem>>) src(%dma_wait3A_22 : memref<80x125xi32, #tpu.memory_space<hbm>>) dst(%arg8 : memref<80x125xi32, #tpu.memory_space<vmem>>)
      tpu.yield
    }) : () -> ()
    %mul3A_1 = arith.constant 640 : i32
    %mul3A_2 = arith.muli %arg1, %mul3A_1 : i32
    "tpu.region"() ({
      %run_scoped3A = tpu.sem_alloc : memref<!tpu.dma_semaphore, #tpu.memory_space<semaphore_mem>>
      %dma_start3A = arith.constant 0 : i32
      %dma_start3A_9 = tpu.memref_slice %arg13[%mul3A_2, %dma_start3A] : memref<10240x32xf32, #tpu.memory_space<vmem_shared>> -> memref<640x32xf32, #tpu.memory_space<vmem_shared>>
      %dma_start3A_10 = arith.constant 0 : i32
      %dma_start3A_11 = tpu.memref_slice %arg5[%mul3A_2, %dma_start3A_10] : memref<10240x32xf32, #tpu.memory_space<hbm>> -> memref<640x32xf32, #tpu.memory_space<hbm>>
      tpu.enqueue_dma source(%dma_start3A_11 : memref<640x32xf32, #tpu.memory_space<hbm>>) target(%dma_start3A_9 : memref<640x32xf32, #tpu.memory_space<vmem_shared>>) target_semaphore(%run_scoped3A : memref<!tpu.dma_semaphore, #tpu.memory_space<semaphore_mem>>)
      %dma_wait3A = arith.constant 0 : i32
      %dma_wait3A_12 = tpu.memref_slice %arg13[%mul3A_2, %dma_wait3A] : memref<10240x32xf32, #tpu.memory_space<vmem_shared>> -> memref<640x32xf32, #tpu.memory_space<vmem_shared>>
      %dma_wait3A_13 = arith.constant 0 : i32
      %dma_wait3A_14 = tpu.memref_slice %arg5[%mul3A_2, %dma_wait3A_13] : memref<10240x32xf32, #tpu.memory_space<hbm>> -> memref<640x32xf32, #tpu.memory_space<hbm>>
      tpu.wait_dma2 semaphore(%run_scoped3A : memref<!tpu.dma_semaphore, #tpu.memory_space<semaphore_mem>>) src(%dma_wait3A_14 : memref<640x32xf32, #tpu.memory_space<hbm>>) dst(%dma_wait3A_12 : memref<640x32xf32, #tpu.memory_space<vmem_shared>>)
      tpu.yield
    }) : () -> ()
    %barrier3A = arith.constant 0 : index
    tpu.barrier barrier_id(%barrier3A)
    %scan3A = arith.constant 0 : i32
    %scan3A_3 = arith.constant 0 : i32
    %scan3A_4 = arith.constant 20 : i32
    %scan3A_5 = arith.addi %scan3A_3, %scan3A_4 : i32
    %scan3A_6 = arith.constant 1 : i32
    scf.for %scan3A_9 = %scan3A_3 to %scan3A_5 step %scan3A_6  : i32 {
      %mul3A_10 = arith.constant 4 : i32
      %mul3A_11 = arith.muli %mul3A_10, %scan3A_9 : i32
      %add3A_12 = arith.constant 0 : i32
      %add3A_13 = arith.addi %mul3A_11, %add3A_12 : i32
      %dma_start3A = arith.constant 0 : i32
      %dma_start3A_14 = tpu.memref_slice %arg7[%add3A_13, %dma_start3A] : memref<80x125xi32, #tpu.memory_space<vmem>> -> memref<1x125xi32, #tpu.memory_space<vmem>>
      %dma_start3A_15 = tpu.memref_squeeze %dma_start3A_14 : memref<1x125xi32, #tpu.memory_space<vmem>> -> memref<125xi32, #tpu.memory_space<vmem>>
      %dma_start3A_16 = arith.constant 0 : i32
      %dma_start3A_17 = arith.constant 0 : i32
      %dma_start3A_18 = tpu.memref_slice %arg2[%dma_start3A_16, %dma_start3A_17] : memref<10000x32xf32, #tpu.memory_space<hbm>> -> memref<10000x32xf32, #tpu.memory_space<hbm>>
      tpu.enqueue_indirect_dma source(%dma_start3A_18 : memref<10000x32xf32, #tpu.memory_space<hbm>>) target(%arg9 : memref<125x32xf32, #tpu.memory_space<vmem>>) offsets(%dma_start3A_15 : memref<125xi32, #tpu.memory_space<vmem>>) semaphore(%arg14 : memref<!tpu.dma_semaphore, #tpu.memory_space<semaphore_mem>>)
      %add3A_19 = arith.constant 1 : i32
      %add3A_20 = arith.addi %mul3A_11, %add3A_19 : i32
      %dma_start3A_21 = arith.constant 0 : i32
      %dma_start3A_22 = tpu.memref_slice %arg7[%add3A_20, %dma_start3A_21] : memref<80x125xi32, #tpu.memory_space<vmem>> -> memref<1x125xi32, #tpu.memory_space<vmem>>
      %dma_start3A_23 = tpu.memref_squeeze %dma_start3A_22 : memref<1x125xi32, #tpu.memory_space<vmem>> -> memref<125xi32, #tpu.memory_space<vmem>>
      %dma_start3A_24 = arith.constant 0 : i32
      %dma_start3A_25 = arith.constant 0 : i32
      %dma_start3A_26 = tpu.memref_slice %arg2[%dma_start3A_24, %dma_start3A_25] : memref<10000x32xf32, #tpu.memory_space<hbm>> -> memref<10000x32xf32, #tpu.memory_space<hbm>>
      tpu.enqueue_indirect_dma source(%dma_start3A_26 : memref<10000x32xf32, #tpu.memory_space<hbm>>) target(%arg10 : memref<125x32xf32, #tpu.memory_space<vmem>>) offsets(%dma_start3A_23 : memref<125xi32, #tpu.memory_space<vmem>>) semaphore(%arg15 : memref<!tpu.dma_semaphore, #tpu.memory_space<semaphore_mem>>)
      %add3A_27 = arith.constant 2 : i32
      %add3A_28 = arith.addi %mul3A_11, %add3A_27 : i32
      %dma_start3A_29 = arith.constant 0 : i32
      %dma_start3A_30 = tpu.memref_slice %arg7[%add3A_28, %dma_start3A_29] : memref<80x125xi32, #tpu.memory_space<vmem>> -> memref<1x125xi32, #tpu.memory_space<vmem>>
      %dma_start3A_31 = tpu.memref_squeeze %dma_start3A_30 : memref<1x125xi32, #tpu.memory_space<vmem>> -> memref<125xi32, #tpu.memory_space<vmem>>
      %dma_start3A_32 = arith.constant 0 : i32
      %dma_start3A_33 = arith.constant 0 : i32
      %dma_start3A_34 = tpu.memref_slice %arg2[%dma_start3A_32, %dma_start3A_33] : memref<10000x32xf32, #tpu.memory_space<hbm>> -> memref<10000x32xf32, #tpu.memory_space<hbm>>
      tpu.enqueue_indirect_dma source(%dma_start3A_34 : memref<10000x32xf32, #tpu.memory_space<hbm>>) target(%arg11 : memref<125x32xf32, #tpu.memory_space<vmem>>) offsets(%dma_start3A_31 : memref<125xi32, #tpu.memory_space<vmem>>) semaphore(%arg16 : memref<!tpu.dma_semaphore, #tpu.memory_space<semaphore_mem>>)
      %add3A_35 = arith.constant 3 : i32
      %add3A_36 = arith.addi %mul3A_11, %add3A_35 : i32
      %dma_start3A_37 = arith.constant 0 : i32
      %dma_start3A_38 = tpu.memref_slice %arg7[%add3A_36, %dma_start3A_37] : memref<80x125xi32, #tpu.memory_space<vmem>> -> memref<1x125xi32, #tpu.memory_space<vmem>>
      %dma_start3A_39 = tpu.memref_squeeze %dma_start3A_38 : memref<1x125xi32, #tpu.memory_space<vmem>> -> memref<125xi32, #tpu.memory_space<vmem>>
      %dma_start3A_40 = arith.constant 0 : i32
      %dma_start3A_41 = arith.constant 0 : i32
      %dma_start3A_42 = tpu.memref_slice %arg2[%dma_start3A_40, %dma_start3A_41] : memref<10000x32xf32, #tpu.memory_space<hbm>> -> memref<10000x32xf32, #tpu.memory_space<hbm>>
      tpu.enqueue_indirect_dma source(%dma_start3A_42 : memref<10000x32xf32, #tpu.memory_space<hbm>>) target(%arg12 : memref<125x32xf32, #tpu.memory_space<vmem>>) offsets(%dma_start3A_39 : memref<125xi32, #tpu.memory_space<vmem>>) semaphore(%arg17 : memref<!tpu.dma_semaphore, #tpu.memory_space<semaphore_mem>>)
      %dma_wait3A = arith.constant 0 : i32
      %dma_wait3A_43 = tpu.memref_slice %arg7[%add3A_13, %dma_wait3A] : memref<80x125xi32, #tpu.memory_space<vmem>> -> memref<1x125xi32, #tpu.memory_space<vmem>>
      %dma_wait3A_44 = tpu.memref_squeeze %dma_wait3A_43 : memref<1x125xi32, #tpu.memory_space<vmem>> -> memref<125xi32, #tpu.memory_space<vmem>>
      %dma_wait3A_45 = arith.constant 0 : i32
      %dma_wait3A_46 = arith.constant 0 : i32
      %dma_wait3A_47 = tpu.memref_slice %arg2[%dma_wait3A_45, %dma_wait3A_46] : memref<10000x32xf32, #tpu.memory_space<hbm>> -> memref<10000x32xf32, #tpu.memory_space<hbm>>
      tpu.wait_indirect_dma semaphore(%arg14 : memref<!tpu.dma_semaphore, #tpu.memory_space<semaphore_mem>>) src(%dma_wait3A_47 : memref<10000x32xf32, #tpu.memory_space<hbm>>) dst(%arg9 : memref<125x32xf32, #tpu.memory_space<vmem>>)
      %add3A_48 = arith.constant 0 : i32
      %add3A_49 = arith.addi %mul3A_11, %add3A_48 : i32
      "tpu.region"() ({
        %run_scoped3A = tpu.sem_alloc : memref<!tpu.dma_semaphore, #tpu.memory_space<semaphore_mem>>
        %dma_start3A_74 = arith.constant 0 : i32
        %dma_start3A_75 = tpu.memref_slice %arg8[%add3A_49, %dma_start3A_74] : memref<80x125xi32, #tpu.memory_space<vmem>> -> memref<1x125xi32, #tpu.memory_space<vmem>>
        %dma_start3A_76 = tpu.memref_squeeze %dma_start3A_75 : memref<1x125xi32, #tpu.memory_space<vmem>> -> memref<125xi32, #tpu.memory_space<vmem>>
        %dma_start3A_77 = arith.constant 0 : i32
        %dma_start3A_78 = arith.constant 0 : i32
        %dma_start3A_79 = tpu.memref_slice %arg13[%dma_start3A_77, %dma_start3A_78] : memref<10240x32xf32, #tpu.memory_space<vmem_shared>> -> memref<10240x32xf32, #tpu.memory_space<vmem_shared>>
        tpu.enqueue_indirect_dma source(%arg9 : memref<125x32xf32, #tpu.memory_space<vmem>>) target(%dma_start3A_79 : memref<10240x32xf32, #tpu.memory_space<vmem_shared>>) offsets(%dma_start3A_76 : memref<125xi32, #tpu.memory_space<vmem>>) semaphore(%run_scoped3A : memref<!tpu.dma_semaphore, #tpu.memory_space<semaphore_mem>>) {add = true}
        %dma_wait3A_80 = arith.constant 0 : i32
        %dma_wait3A_81 = tpu.memref_slice %arg8[%add3A_49, %dma_wait3A_80] : memref<80x125xi32, #tpu.memory_space<vmem>> -> memref<1x125xi32, #tpu.memory_space<vmem>>
        %dma_wait3A_82 = tpu.memref_squeeze %dma_wait3A_81 : memref<1x125xi32, #tpu.memory_space<vmem>> -> memref<125xi32, #tpu.memory_space<vmem>>
        %dma_wait3A_83 = arith.constant 0 : i32
        %dma_wait3A_84 = arith.constant 0 : i32
        %dma_wait3A_85 = tpu.memref_slice %arg13[%dma_wait3A_83, %dma_wait3A_84] : memref<10240x32xf32, #tpu.memory_space<vmem_shared>> -> memref<10240x32xf32, #tpu.memory_space<vmem_shared>>
        tpu.wait_indirect_dma semaphore(%run_scoped3A : memref<!tpu.dma_semaphore, #tpu.memory_space<semaphore_mem>>) src(%arg9 : memref<125x32xf32, #tpu.memory_space<vmem>>) dst(%dma_wait3A_85 : memref<10240x32xf32, #tpu.memory_space<vmem_shared>>)
        tpu.yield
      }) : () -> ()
      %dma_wait3A_50 = arith.constant 0 : i32
      %dma_wait3A_51 = tpu.memref_slice %arg7[%add3A_20, %dma_wait3A_50] : memref<80x125xi32, #tpu.memory_space<vmem>> -> memref<1x125xi32, #tpu.memory_space<vmem>>
      %dma_wait3A_52 = tpu.memref_squeeze %dma_wait3A_51 : memref<1x125xi32, #tpu.memory_space<vmem>> -> memref<125xi32, #tpu.memory_space<vmem>>
      %dma_wait3A_53 = arith.constant 0 : i32
      %dma_wait3A_54 = arith.constant 0 : i32
      %dma_wait3A_55 = tpu.memref_slice %arg2[%dma_wait3A_53, %dma_wait3A_54] : memref<10000x32xf32, #tpu.memory_space<hbm>> -> memref<10000x32xf32, #tpu.memory_space<hbm>>
      tpu.wait_indirect_dma semaphore(%arg15 : memref<!tpu.dma_semaphore, #tpu.memory_space<semaphore_mem>>) src(%dma_wait3A_55 : memref<10000x32xf32, #tpu.memory_space<hbm>>) dst(%arg10 : memref<125x32xf32, #tpu.memory_space<vmem>>)
      %add3A_56 = arith.constant 1 : i32
      %add3A_57 = arith.addi %mul3A_11, %add3A_56 : i32
      "tpu.region"() ({
        %run_scoped3A = tpu.sem_alloc : memref<!tpu.dma_semaphore, #tpu.memory_space<semaphore_mem>>
        %dma_start3A_74 = arith.constant 0 : i32
        %dma_start3A_75 = tpu.memref_slice %arg8[%add3A_57, %dma_start3A_74] : memref<80x125xi32, #tpu.memory_space<vmem>> -> memref<1x125xi32, #tpu.memory_space<vmem>>
        %dma_start3A_76 = tpu.memref_squeeze %dma_start3A_75 : memref<1x125xi32, #tpu.memory_space<vmem>> -> memref<125xi32, #tpu.memory_space<vmem>>
        %dma_start3A_77 = arith.constant 0 : i32
        %dma_start3A_78 = arith.constant 0 : i32
        %dma_start3A_79 = tpu.memref_slice %arg13[%dma_start3A_77, %dma_start3A_78] : memref<10240x32xf32, #tpu.memory_space<vmem_shared>> -> memref<10240x32xf32, #tpu.memory_space<vmem_shared>>
        tpu.enqueue_indirect_dma source(%arg10 : memref<125x32xf32, #tpu.memory_space<vmem>>) target(%dma_start3A_79 : memref<10240x32xf32, #tpu.memory_space<vmem_shared>>) offsets(%dma_start3A_76 : memref<125xi32, #tpu.memory_space<vmem>>) semaphore(%run_scoped3A : memref<!tpu.dma_semaphore, #tpu.memory_space<semaphore_mem>>) {add = true}
        %dma_wait3A_80 = arith.constant 0 : i32
        %dma_wait3A_81 = tpu.memref_slice %arg8[%add3A_57, %dma_wait3A_80] : memref<80x125xi32, #tpu.memory_space<vmem>> -> memref<1x125xi32, #tpu.memory_space<vmem>>
        %dma_wait3A_82 = tpu.memref_squeeze %dma_wait3A_81 : memref<1x125xi32, #tpu.memory_space<vmem>> -> memref<125xi32, #tpu.memory_space<vmem>>
        %dma_wait3A_83 = arith.constant 0 : i32
        %dma_wait3A_84 = arith.constant 0 : i32
        %dma_wait3A_85 = tpu.memref_slice %arg13[%dma_wait3A_83, %dma_wait3A_84] : memref<10240x32xf32, #tpu.memory_space<vmem_shared>> -> memref<10240x32xf32, #tpu.memory_space<vmem_shared>>
        tpu.wait_indirect_dma semaphore(%run_scoped3A : memref<!tpu.dma_semaphore, #tpu.memory_space<semaphore_mem>>) src(%arg10 : memref<125x32xf32, #tpu.memory_space<vmem>>) dst(%dma_wait3A_85 : memref<10240x32xf32, #tpu.memory_space<vmem_shared>>)
        tpu.yield
      }) : () -> ()
      %dma_wait3A_58 = arith.constant 0 : i32
      %dma_wait3A_59 = tpu.memref_slice %arg7[%add3A_28, %dma_wait3A_58] : memref<80x125xi32, #tpu.memory_space<vmem>> -> memref<1x125xi32, #tpu.memory_space<vmem>>
      %dma_wait3A_60 = tpu.memref_squeeze %dma_wait3A_59 : memref<1x125xi32, #tpu.memory_space<vmem>> -> memref<125xi32, #tpu.memory_space<vmem>>
      %dma_wait3A_61 = arith.constant 0 : i32
      %dma_wait3A_62 = arith.constant 0 : i32
      %dma_wait3A_63 = tpu.memref_slice %arg2[%dma_wait3A_61, %dma_wait3A_62] : memref<10000x32xf32, #tpu.memory_space<hbm>> -> memref<10000x32xf32, #tpu.memory_space<hbm>>
      tpu.wait_indirect_dma semaphore(%arg16 : memref<!tpu.dma_semaphore, #tpu.memory_space<semaphore_mem>>) src(%dma_wait3A_63 : memref<10000x32xf32, #tpu.memory_space<hbm>>) dst(%arg11 : memref<125x32xf32, #tpu.memory_space<vmem>>)
      %add3A_64 = arith.constant 2 : i32
      %add3A_65 = arith.addi %mul3A_11, %add3A_64 : i32
      "tpu.region"() ({
        %run_scoped3A = tpu.sem_alloc : memref<!tpu.dma_semaphore, #tpu.memory_space<semaphore_mem>>
        %dma_start3A_74 = arith.constant 0 : i32
        %dma_start3A_75 = tpu.memref_slice %arg8[%add3A_65, %dma_start3A_74] : memref<80x125xi32, #tpu.memory_space<vmem>> -> memref<1x125xi32, #tpu.memory_space<vmem>>
        %dma_start3A_76 = tpu.memref_squeeze %dma_start3A_75 : memref<1x125xi32, #tpu.memory_space<vmem>> -> memref<125xi32, #tpu.memory_space<vmem>>
        %dma_start3A_77 = arith.constant 0 : i32
        %dma_start3A_78 = arith.constant 0 : i32
        %dma_start3A_79 = tpu.memref_slice %arg13[%dma_start3A_77, %dma_start3A_78] : memref<10240x32xf32, #tpu.memory_space<vmem_shared>> -> memref<10240x32xf32, #tpu.memory_space<vmem_shared>>
        tpu.enqueue_indirect_dma source(%arg11 : memref<125x32xf32, #tpu.memory_space<vmem>>) target(%dma_start3A_79 : memref<10240x32xf32, #tpu.memory_space<vmem_shared>>) offsets(%dma_start3A_76 : memref<125xi32, #tpu.memory_space<vmem>>) semaphore(%run_scoped3A : memref<!tpu.dma_semaphore, #tpu.memory_space<semaphore_mem>>) {add = true}
        %dma_wait3A_80 = arith.constant 0 : i32
        %dma_wait3A_81 = tpu.memref_slice %arg8[%add3A_65, %dma_wait3A_80] : memref<80x125xi32, #tpu.memory_space<vmem>> -> memref<1x125xi32, #tpu.memory_space<vmem>>
        %dma_wait3A_82 = tpu.memref_squeeze %dma_wait3A_81 : memref<1x125xi32, #tpu.memory_space<vmem>> -> memref<125xi32, #tpu.memory_space<vmem>>
        %dma_wait3A_83 = arith.constant 0 : i32
        %dma_wait3A_84 = arith.constant 0 : i32
        %dma_wait3A_85 = tpu.memref_slice %arg13[%dma_wait3A_83, %dma_wait3A_84] : memref<10240x32xf32, #tpu.memory_space<vmem_shared>> -> memref<10240x32xf32, #tpu.memory_space<vmem_shared>>
        tpu.wait_indirect_dma semaphore(%run_scoped3A : memref<!tpu.dma_semaphore, #tpu.memory_space<semaphore_mem>>) src(%arg11 : memref<125x32xf32, #tpu.memory_space<vmem>>) dst(%dma_wait3A_85 : memref<10240x32xf32, #tpu.memory_space<vmem_shared>>)
        tpu.yield
      }) : () -> ()
      %dma_wait3A_66 = arith.constant 0 : i32
      %dma_wait3A_67 = tpu.memref_slice %arg7[%add3A_36, %dma_wait3A_66] : memref<80x125xi32, #tpu.memory_space<vmem>> -> memref<1x125xi32, #tpu.memory_space<vmem>>
      %dma_wait3A_68 = tpu.memref_squeeze %dma_wait3A_67 : memref<1x125xi32, #tpu.memory_space<vmem>> -> memref<125xi32, #tpu.memory_space<vmem>>
      %dma_wait3A_69 = arith.constant 0 : i32
      %dma_wait3A_70 = arith.constant 0 : i32
      %dma_wait3A_71 = tpu.memref_slice %arg2[%dma_wait3A_69, %dma_wait3A_70] : memref<10000x32xf32, #tpu.memory_space<hbm>> -> memref<10000x32xf32, #tpu.memory_space<hbm>>
      tpu.wait_indirect_dma semaphore(%arg17 : memref<!tpu.dma_semaphore, #tpu.memory_space<semaphore_mem>>) src(%dma_wait3A_71 : memref<10000x32xf32, #tpu.memory_space<hbm>>) dst(%arg12 : memref<125x32xf32, #tpu.memory_space<vmem>>)
      %add3A_72 = arith.constant 3 : i32
      %add3A_73 = arith.addi %mul3A_11, %add3A_72 : i32
      "tpu.region"() ({
        %run_scoped3A = tpu.sem_alloc : memref<!tpu.dma_semaphore, #tpu.memory_space<semaphore_mem>>
        %dma_start3A_74 = arith.constant 0 : i32
        %dma_start3A_75 = tpu.memref_slice %arg8[%add3A_73, %dma_start3A_74] : memref<80x125xi32, #tpu.memory_space<vmem>> -> memref<1x125xi32, #tpu.memory_space<vmem>>
        %dma_start3A_76 = tpu.memref_squeeze %dma_start3A_75 : memref<1x125xi32, #tpu.memory_space<vmem>> -> memref<125xi32, #tpu.memory_space<vmem>>
        %dma_start3A_77 = arith.constant 0 : i32
        %dma_start3A_78 = arith.constant 0 : i32
        %dma_start3A_79 = tpu.memref_slice %arg13[%dma_start3A_77, %dma_start3A_78] : memref<10240x32xf32, #tpu.memory_space<vmem_shared>> -> memref<10240x32xf32, #tpu.memory_space<vmem_shared>>
        tpu.enqueue_indirect_dma source(%arg12 : memref<125x32xf32, #tpu.memory_space<vmem>>) target(%dma_start3A_79 : memref<10240x32xf32, #tpu.memory_space<vmem_shared>>) offsets(%dma_start3A_76 : memref<125xi32, #tpu.memory_space<vmem>>) semaphore(%run_scoped3A : memref<!tpu.dma_semaphore, #tpu.memory_space<semaphore_mem>>) {add = true}
        %dma_wait3A_80 = arith.constant 0 : i32
        %dma_wait3A_81 = tpu.memref_slice %arg8[%add3A_73, %dma_wait3A_80] : memref<80x125xi32, #tpu.memory_space<vmem>> -> memref<1x125xi32, #tpu.memory_space<vmem>>
        %dma_wait3A_82 = tpu.memref_squeeze %dma_wait3A_81 : memref<1x125xi32, #tpu.memory_space<vmem>> -> memref<125xi32, #tpu.memory_space<vmem>>
        %dma_wait3A_83 = arith.constant 0 : i32
        %dma_wait3A_84 = arith.constant 0 : i32
        %dma_wait3A_85 = tpu.memref_slice %arg13[%dma_wait3A_83, %dma_wait3A_84] : memref<10240x32xf32, #tpu.memory_space<vmem_shared>> -> memref<10240x32xf32, #tpu.memory_space<vmem_shared>>
        tpu.wait_indirect_dma semaphore(%run_scoped3A : memref<!tpu.dma_semaphore, #tpu.memory_space<semaphore_mem>>) src(%arg12 : memref<125x32xf32, #tpu.memory_space<vmem>>) dst(%dma_wait3A_85 : memref<10240x32xf32, #tpu.memory_space<vmem_shared>>)
        tpu.yield
      }) : () -> ()
    }
    %scan3A_7 = arith.constant 20 : i32
    %barrier3A_8 = arith.constant 0 : index
    tpu.barrier barrier_id(%barrier3A_8)
    "tpu.region"() ({
      %run_scoped3A = tpu.sem_alloc : memref<!tpu.dma_semaphore, #tpu.memory_space<semaphore_mem>>
      %dma_start3A = arith.constant 0 : i32
      %dma_start3A_9 = tpu.memref_slice %arg6[%arg0, %mul3A_2, %dma_start3A] : memref<2x10240x32xf32, #tpu.memory_space<hbm>> -> memref<1x640x32xf32, #tpu.memory_space<hbm>>
      %dma_start3A_10 = tpu.memref_squeeze %dma_start3A_9 : memref<1x640x32xf32, #tpu.memory_space<hbm>> -> memref<640x32xf32, #tpu.memory_space<hbm>>
      %dma_start3A_11 = arith.constant 0 : i32
      %dma_start3A_12 = tpu.memref_slice %arg13[%mul3A_2, %dma_start3A_11] : memref<10240x32xf32, #tpu.memory_space<vmem_shared>> -> memref<640x32xf32, #tpu.memory_space<vmem_shared>>
      tpu.enqueue_dma source(%dma_start3A_12 : memref<640x32xf32, #tpu.memory_space<vmem_shared>>) target(%dma_start3A_10 : memref<640x32xf32, #tpu.memory_space<hbm>>) target_semaphore(%run_scoped3A : memref<!tpu.dma_semaphore, #tpu.memory_space<semaphore_mem>>)
      %dma_wait3A = arith.constant 0 : i32
      %dma_wait3A_13 = tpu.memref_slice %arg6[%arg0, %mul3A_2, %dma_wait3A] : memref<2x10240x32xf32, #tpu.memory_space<hbm>> -> memref<1x640x32xf32, #tpu.memory_space<hbm>>
      %dma_wait3A_14 = tpu.memref_squeeze %dma_wait3A_13 : memref<1x640x32xf32, #tpu.memory_space<hbm>> -> memref<640x32xf32, #tpu.memory_space<hbm>>
      %dma_wait3A_15 = arith.constant 0 : i32
      %dma_wait3A_16 = tpu.memref_slice %arg13[%mul3A_2, %dma_wait3A_15] : memref<10240x32xf32, #tpu.memory_space<vmem_shared>> -> memref<640x32xf32, #tpu.memory_space<vmem_shared>>
      tpu.wait_dma2 semaphore(%run_scoped3A : memref<!tpu.dma_semaphore, #tpu.memory_space<semaphore_mem>>) src(%dma_wait3A_16 : memref<640x32xf32, #tpu.memory_space<vmem_shared>>) dst(%dma_wait3A_14 : memref<640x32xf32, #tpu.memory_space<hbm>>)
      tpu.yield
    }) : () -> ()
    return
  }
}

module attributes {stable_mosaic.version = 14 : i64} {
  func.func @_tc1_body(%arg0: memref<10000x128xf32, #tpu.memory_space<vmem>>, %arg1: memref<128x80xf32, #tpu.memory_space<vmem>>, %arg2: memref<128x64xf32, #tpu.memory_space<vmem>>, %arg3: memref<1x64xf32, #tpu.memory_space<vmem>>, %arg4: memref<10000x80xf32, #tpu.memory_space<vmem>>, %arg5: memref<10000x64xf32, #tpu.memory_space<vmem>>) attributes {dimension_semantics = [], scalar_prefetch = 0 : i64, scratch_operands = 0 : i64, tpu.core_type = #tpu.core_type<tc>} {
    %get3A = arith.constant 0 : index
    %get3A_0 = arith.constant 0 : index
    %get3A_1 = vector.load %arg0[%get3A, %get3A_0] : memref<10000x128xf32, #tpu.memory_space<vmem>>, vector<10000x128xf32>
    %get3A_2 = arith.constant 0 : index
    %get3A_3 = arith.constant 0 : index
    %get3A_4 = vector.load %arg1[%get3A_2, %get3A_3] : memref<128x80xf32, #tpu.memory_space<vmem>>, vector<128x80xf32>
    %dot_general3A = arith.constant dense<0.000000e+00> : vector<10000x80xf32>
    %dot_general3A_5 = tpu.matmul %get3A_1, %get3A_4, %dot_general3A {dimension_numbers = #tpu.dot_dimension_numbers<[1], [0], [0], [1], [0, 0, 1, 1], [], []>, transpose_lhs_hint = false} : vector<10000x128xf32>, vector<128x80xf32>, vector<10000x80xf32> -> vector<10000x80xf32>
    %iota3A = tpu.iota {dimensions = array<i32: 1>} : vector<1x80xi32>
    %eq3A = arith.constant 64 : i32
    %eq3A_6 = vector.broadcast %eq3A : i32 to vector<1x80xi32>
    %eq3A_7 = arith.cmpi eq, %iota3A, %eq3A_6 : vector<1x80xi32>
    %jit3A = arith.constant 1.000000e+00 : f32
    %jit3A_8 = arith.constant 0.000000e+00 : f32
    %broadcast_in_dim3A = vector.broadcast %jit3A : f32 to vector<1x80xf32>
    %broadcast_in_dim3A_9 = vector.broadcast %jit3A_8 : f32 to vector<1x80xf32>
    %select_n3A = arith.select %eq3A_7, %broadcast_in_dim3A, %broadcast_in_dim3A_9 : vector<1x80xi1>, vector<1x80xf32>
    %add3A = vector.broadcast %select_n3A : vector<1x80xf32> to vector<10000x80xf32>
    %add3A_10 = arith.addf %dot_general3A_5, %add3A : vector<10000x80xf32>
    %swap3A = arith.constant 0 : index
    %swap3A_11 = arith.constant 0 : index
    %swap3A_12 = vector.load %arg4[%swap3A, %swap3A_11] : memref<10000x80xf32, #tpu.memory_space<vmem>>, vector<10000x80xf32>
    tpu.vector_store %arg4[%swap3A, %swap3A_11], %add3A_10 {strides = array<i32>} : memref<10000x80xf32, #tpu.memory_space<vmem>>, vector<10000x80xf32>,
    %get3A_13 = arith.constant 0 : index
    %get3A_14 = arith.constant 0 : index
    %get3A_15 = vector.load %arg2[%get3A_13, %get3A_14] : memref<128x64xf32, #tpu.memory_space<vmem>>, vector<128x64xf32>
    %dot_general3A_16 = arith.constant dense<0.000000e+00> : vector<10000x64xf32>
    %dot_general3A_17 = tpu.matmul %get3A_1, %get3A_15, %dot_general3A_16 {dimension_numbers = #tpu.dot_dimension_numbers<[1], [0], [0], [1], [0, 0, 1, 1], [], []>, transpose_lhs_hint = false} : vector<10000x128xf32>, vector<128x64xf32>, vector<10000x64xf32> -> vector<10000x64xf32>
    %get3A_18 = arith.constant 0 : index
    %get3A_19 = arith.constant 0 : index
    %get3A_20 = vector.load %arg3[%get3A_18, %get3A_19] : memref<1x64xf32, #tpu.memory_space<vmem>>, vector<1x64xf32>
    %add3A_21 = vector.broadcast %get3A_20 : vector<1x64xf32> to vector<10000x64xf32>
    %add3A_22 = arith.addf %dot_general3A_17, %add3A_21 : vector<10000x64xf32>
    %swap3A_23 = arith.constant 0 : index
    %swap3A_24 = arith.constant 0 : index
    %swap3A_25 = vector.load %arg5[%swap3A_23, %swap3A_24] : memref<10000x64xf32, #tpu.memory_space<vmem>>, vector<10000x64xf32>
    tpu.vector_store %arg5[%swap3A_23, %swap3A_24], %add3A_22 {strides = array<i32>} : memref<10000x64xf32, #tpu.memory_space<vmem>>, vector<10000x64xf32>,
    return
  }
}

module attributes {stable_mosaic.version = 14 : i64} {
  func.func @_tc2_body(%arg0: memref<2x10240x80xf32, #tpu.memory_space<vmem>>, %arg1: memref<10000x64xf32, #tpu.memory_space<vmem>>, %arg2: memref<64x32xf32, #tpu.memory_space<vmem>>, %arg3: memref<64x32xf32, #tpu.memory_space<vmem>>, %arg4: memref<1x32xf32, #tpu.memory_space<vmem>>, %arg5: memref<10000x32xf32, #tpu.memory_space<vmem>>, %arg6: memref<10000x32xf32, #tpu.memory_space<vmem>>, %arg7: memref<10000x1xf32, #tpu.memory_space<vmem>>) attributes {dimension_semantics = [], scalar_prefetch = 0 : i64, scratch_operands = 0 : i64, tpu.core_type = #tpu.core_type<tc>} {
    %get3A = arith.constant 0 : index
    %get3A_0 = arith.constant 0 : index
    %get3A_1 = arith.constant 0 : index
    %get3A_2 = vector.load %arg0[%get3A, %get3A_0, %get3A_1] : memref<2x10240x80xf32, #tpu.memory_space<vmem>>, vector<1x10000x80xf32>
    %get3A_3 = vector.shape_cast %get3A_2 : vector<1x10000x80xf32> to vector<10000x80xf32>
    %get3A_4 = arith.constant 1 : index
    %get3A_5 = arith.constant 0 : index
    %get3A_6 = arith.constant 0 : index
    %get3A_7 = vector.load %arg0[%get3A_4, %get3A_5, %get3A_6] : memref<2x10240x80xf32, #tpu.memory_space<vmem>>, vector<1x10000x80xf32>
    %get3A_8 = vector.shape_cast %get3A_7 : vector<1x10000x80xf32> to vector<10000x80xf32>
    %add3A = arith.addf %get3A_3, %get3A_8 : vector<10000x80xf32>
    %slice3A = vector.extract_strided_slice %add3A {offsets = [0, 64], sizes = [10000, 1], strides = [1, 1]} : vector<10000x80xf32> to vector<10000x1xf32>
    %max3A = arith.constant 1.000000e+00 : f32
    %max3A_9 = vector.broadcast %max3A : f32 to vector<10000x1xf32>
    %max3A_10 = arith.maximumf %slice3A, %max3A_9 : vector<10000x1xf32>
    %slice3A_11 = vector.extract_strided_slice %add3A {offsets = [0, 0], sizes = [10000, 64], strides = [1, 1]} : vector<10000x80xf32> to vector<10000x64xf32>
    %div3A = vector.broadcast %max3A_10 : vector<10000x1xf32> to vector<10000x64xf32>
    %div3A_12 = arith.divf %slice3A_11, %div3A : vector<10000x64xf32>
    %get3A_13 = arith.constant 0 : index
    %get3A_14 = arith.constant 0 : index
    %get3A_15 = vector.load %arg1[%get3A_13, %get3A_14] : memref<10000x64xf32, #tpu.memory_space<vmem>>, vector<10000x64xf32>
    %add3A_16 = arith.addf %div3A_12, %get3A_15 : vector<10000x64xf32>
    %max3A_17 = arith.constant 0.000000e+00 : f32
    %max3A_18 = vector.broadcast %max3A_17 : f32 to vector<10000x64xf32>
    %max3A_19 = arith.maximumf %add3A_16, %max3A_18 : vector<10000x64xf32>
    %get3A_20 = arith.constant 0 : index
    %get3A_21 = arith.constant 0 : index
    %get3A_22 = vector.load %arg2[%get3A_20, %get3A_21] : memref<64x32xf32, #tpu.memory_space<vmem>>, vector<64x32xf32>
    %dot_general3A = arith.constant dense<0.000000e+00> : vector<10000x32xf32>
    %dot_general3A_23 = tpu.matmul %max3A_19, %get3A_22, %dot_general3A {dimension_numbers = #tpu.dot_dimension_numbers<[1], [0], [0], [1], [0, 0, 1, 1], [], []>, transpose_lhs_hint = false} : vector<10000x64xf32>, vector<64x32xf32>, vector<10000x32xf32> -> vector<10000x32xf32>
    %swap3A = arith.constant 0 : index
    %swap3A_24 = arith.constant 0 : index
    %swap3A_25 = vector.load %arg5[%swap3A, %swap3A_24] : memref<10000x32xf32, #tpu.memory_space<vmem>>, vector<10000x32xf32>
    tpu.vector_store %arg5[%swap3A, %swap3A_24], %dot_general3A_23 {strides = array<i32>} : memref<10000x32xf32, #tpu.memory_space<vmem>>, vector<10000x32xf32>,
    %get3A_26 = arith.constant 0 : index
    %get3A_27 = arith.constant 0 : index
    %get3A_28 = vector.load %arg3[%get3A_26, %get3A_27] : memref<64x32xf32, #tpu.memory_space<vmem>>, vector<64x32xf32>
    %dot_general3A_29 = arith.constant dense<0.000000e+00> : vector<10000x32xf32>
    %dot_general3A_30 = tpu.matmul %max3A_19, %get3A_28, %dot_general3A_29 {dimension_numbers = #tpu.dot_dimension_numbers<[1], [0], [0], [1], [0, 0, 1, 1], [], []>, transpose_lhs_hint = false} : vector<10000x64xf32>, vector<64x32xf32>, vector<10000x32xf32> -> vector<10000x32xf32>
    %get3A_31 = arith.constant 0 : index
    %get3A_32 = arith.constant 0 : index
    %get3A_33 = vector.load %arg4[%get3A_31, %get3A_32] : memref<1x32xf32, #tpu.memory_space<vmem>>, vector<1x32xf32>
    %add3A_34 = vector.broadcast %get3A_33 : vector<1x32xf32> to vector<10000x32xf32>
    %add3A_35 = arith.addf %dot_general3A_30, %add3A_34 : vector<10000x32xf32>
    %swap3A_36 = arith.constant 0 : index
    %swap3A_37 = arith.constant 0 : index
    %swap3A_38 = vector.load %arg6[%swap3A_36, %swap3A_37] : memref<10000x32xf32, #tpu.memory_space<vmem>>, vector<10000x32xf32>
    tpu.vector_store %arg6[%swap3A_36, %swap3A_37], %add3A_35 {strides = array<i32>} : memref<10000x32xf32, #tpu.memory_space<vmem>>, vector<10000x32xf32>,
    %swap3A_39 = arith.constant 0 : index
    %swap3A_40 = arith.constant 0 : index
    %swap3A_41 = vector.load %arg7[%swap3A_39, %swap3A_40] : memref<10000x1xf32, #tpu.memory_space<vmem>>, vector<10000x1xf32>
    tpu.vector_store %arg7[%swap3A_39, %swap3A_40], %max3A_10 {strides = array<i32>} : memref<10000x1xf32, #tpu.memory_space<vmem>>, vector<10000x1xf32>,
    return
  }
}

module attributes {stable_mosaic.version = 14 : i64} {
  func.func @_tc3_body(%arg0: memref<2x10240x32xf32, #tpu.memory_space<vmem>>, %arg1: memref<10000x32xf32, #tpu.memory_space<vmem>>, %arg2: memref<10000x1xf32, #tpu.memory_space<vmem>>, %arg3: memref<32x1xf32, #tpu.memory_space<vmem>>, %arg4: memref<1x1xf32, #tpu.memory_space<vmem>>, %arg5: memref<10000x1xf32, #tpu.memory_space<vmem>>) attributes {dimension_semantics = [], scalar_prefetch = 0 : i64, scratch_operands = 0 : i64, tpu.core_type = #tpu.core_type<tc>} {
    %get3A = arith.constant 0 : index
    %get3A_0 = arith.constant 0 : index
    %get3A_1 = arith.constant 0 : index
    %get3A_2 = vector.load %arg0[%get3A, %get3A_0, %get3A_1] : memref<2x10240x32xf32, #tpu.memory_space<vmem>>, vector<1x10000x32xf32>
    %get3A_3 = vector.shape_cast %get3A_2 : vector<1x10000x32xf32> to vector<10000x32xf32>
    %get3A_4 = arith.constant 1 : index
    %get3A_5 = arith.constant 0 : index
    %get3A_6 = arith.constant 0 : index
    %get3A_7 = vector.load %arg0[%get3A_4, %get3A_5, %get3A_6] : memref<2x10240x32xf32, #tpu.memory_space<vmem>>, vector<1x10000x32xf32>
    %get3A_8 = vector.shape_cast %get3A_7 : vector<1x10000x32xf32> to vector<10000x32xf32>
    %add3A = arith.addf %get3A_3, %get3A_8 : vector<10000x32xf32>
    %get3A_9 = arith.constant 0 : index
    %get3A_10 = arith.constant 0 : index
    %get3A_11 = vector.load %arg2[%get3A_9, %get3A_10] : memref<10000x1xf32, #tpu.memory_space<vmem>>, vector<10000x1xf32>
    %div3A = vector.broadcast %get3A_11 : vector<10000x1xf32> to vector<10000x32xf32>
    %div3A_12 = arith.divf %add3A, %div3A : vector<10000x32xf32>
    %get3A_13 = arith.constant 0 : index
    %get3A_14 = arith.constant 0 : index
    %get3A_15 = vector.load %arg1[%get3A_13, %get3A_14] : memref<10000x32xf32, #tpu.memory_space<vmem>>, vector<10000x32xf32>
    %add3A_16 = arith.addf %div3A_12, %get3A_15 : vector<10000x32xf32>
    %max3A = arith.constant 0.000000e+00 : f32
    %max3A_17 = vector.broadcast %max3A : f32 to vector<10000x32xf32>
    %max3A_18 = arith.maximumf %add3A_16, %max3A_17 : vector<10000x32xf32>
    %get3A_19 = arith.constant 0 : index
    %get3A_20 = arith.constant 0 : index
    %get3A_21 = vector.load %arg3[%get3A_19, %get3A_20] : memref<32x1xf32, #tpu.memory_space<vmem>>, vector<32x1xf32>
    %dot_general3A = arith.constant dense<0.000000e+00> : vector<10000x1xf32>
    %dot_general3A_22 = tpu.matmul %max3A_18, %get3A_21, %dot_general3A {dimension_numbers = #tpu.dot_dimension_numbers<[1], [0], [0], [1], [0, 0, 1, 1], [], []>, transpose_lhs_hint = false} : vector<10000x32xf32>, vector<32x1xf32>, vector<10000x1xf32> -> vector<10000x1xf32>
    %get3A_23 = arith.constant 0 : index
    %get3A_24 = arith.constant 0 : index
    %get3A_25 = vector.load %arg4[%get3A_23, %get3A_24] : memref<1x1xf32, #tpu.memory_space<vmem>>, vector<1x1xf32>
    %add3A_26 = vector.broadcast %get3A_25 : vector<1x1xf32> to vector<10000x1xf32>
    %add3A_27 = arith.addf %dot_general3A_22, %add3A_26 : vector<10000x1xf32>
    %swap3A = arith.constant 0 : index
    %swap3A_28 = arith.constant 0 : index
    %swap3A_29 = vector.load %arg5[%swap3A, %swap3A_28] : memref<10000x1xf32, #tpu.memory_space<vmem>>, vector<10000x1xf32>
    tpu.vector_store %arg5[%swap3A, %swap3A_28], %add3A_27 {strides = array<i32>} : memref<10000x1xf32, #tpu.memory_space<vmem>>, vector<10000x1xf32>,
    return
  }
}

</mosaic_0001>

<sc_bundles>
// kernel: kernel.10.cloned.1.call-start
scs
__scs_entry_jumppad:
0x0: {  	(pc) =	sbr.rel $0x88, $3  }
0x1: {  	(tag) =	ssettag $0x0;
	lr =	simm.s32 $0x1  }
0x2: {  	[smem:$0x3F97] =	sst lr;
	_ =	strace $0xD0000000  }
0x3: {  	_ = 	snop  }
0x4: {  	_ = 	snop  }
0x5: {  	_ = 	snop  }
0x6: {  	_ = 	snop  }
0x7: {  	_ = 	snop  }
__scs_overlays_trampoline_lowered:
0x8: {  	[smem:$0x3FA6] =	sst s0  }
0x9: {  	[smem:$0x3FA7] =	sst s1  }
0xa: {  	[smem:$0x3FA8] =	sst s2  }
0xb: {  	[smem:$0x3FA9] =	sst s3  }
0xc: {  	[smem:$0x3FAA] =	sst s4  }
0xd: {  	[smem:$0x3FAB] =	sst s5  }
0xe: {  	[smem:$0x3FAC] =	sst s6  }
0xf: {  	[smem:$0x3FAD] =	sst s7  }
0x10: {  	[smem:$0x3FAE] =	sst s8  }
0x11: {  	[smem:$0x3FAF] =	sst s9;
	s0 =	simm.s32 @!p0 $0x0  }
0x12: {  	s1 =	sld [smem:$0x3F95];
	s0 =	simm.s32 @p0 $0x1  }
0x13: {  	[smem:$0x3FB0] =	sst s0;
	s0 =	simm.s32 @!p1 $0x0  }
0x14: {  	s2 =	sld [smem:$0x3F94];
	s0 =	simm.s32 @p1 $0x1  }
0x15: {  	[smem:$0x3FB1] =	sst s0;
	s0 =	simm.s32 @!p2 $0x0  }
0x16: {  	s3 =	sld [smem:$0x3FDB];
	s0 =	simm.s32 @p2 $0x1  }
0x17: {  	s4 =	simm.s32 $0x1BF5;
	[smem:$0x3FB3] =	sst s0  }
0x18: {  	s0 =	sld [smem:$0x3F96];
	_ =	swait.ge [sflag:s4], $0x0  }
0x19: {  	s7 =	sld [smem:$0x3F97]  }
0x1a: {  	s8 =	sadd.s32 $0xFFFFE003, lr  }
0x1b: {  	s9 =	sadd.s32 $0xFFFFFEF7, lr;
	s5 =	simm.s32 $0xFFFFFFFF;
	p2 =	slt.u32 s8, $0xFFFFF086  }
0x1c: {  	p1 =	slt.u32 s9, $0xF7A;
	s5 =	simm.s32 @!p2 $0x0  }
0x1d: {  	s5 =	simm.s32 @p1 $0x1;
	p0 =	seq.s32 s7, s2  }
0x1e: {  	s7 =	smul.u32 @!p0 $0xF7A, s2;
	p2 =	seq.s32 @!p0 s5, $0x0  }
0x1f: {  	s9 =	smul.u32 $0xF7A, s1;
	s8 =	simm.s32 @!p0 $0x1BF5;
	p2 =	por !p2, p0  }
0x20: {  	[sflag:s8] =	ssyncset.s32 @!p0 $0xFFFFF086;
	s6 =	sadd.s32 @!p0 s3, s7;
	s7 =	simm.s32 @!p0 $0x108  }
0x21: {  	s3 =	sadd.s32 s3, s9;
	s6 =	sadd.s32 @!p0 $0x88, s6;
	s7 =	simm.s32 @p2 $0x1082  }
0x22: {  	[simem:s7], [sflag:s8] =	dma.local @!p0 [hbm:s6], $0xF7A  }
0x23: {  	s9 =	sor.u32 $0xD0000000, s2;
	s6 =	simm.s32 $0x108;
	_ =	swait.ge @!p0 [sflag:s8], $0x0  }
0x24: {  	s3 =	sadd.s32 $0x88, s3;
	s6 =	simm.s32 @!p1 $0x1082;
	[sflag:s4] =	ssyncset.s32 $0xFFFFF086  }
0x25: {  	[simem:s6], [sflag:s4] =	dma.local [hbm:s3], $0xF7A  }
0x26: {  	[smem:$0x3F97] =	sst s1;
	(tag) =	ssettag s2;
	_ =	strace s9  }
0x27: {  	s1 =	sld [smem:$0x3FA7]  }
0x28: {  	s2 =	sld [smem:$0x3FA8]  }
0x29: {  	s4 =	sld [smem:$0x3FAA]  }
0x2a: {  	p0 =	seq.s32 s5, $0x0;
	s5 =	sld [smem:$0x3FAB]  }
0x2b: {  	s6 =	sld [smem:$0x3FAC]  }
0x2c: {  	s7 =	sld [smem:$0x3FAD]  }
0x2d: {  	s3 =	simm.s32 $0x108;
	s8 =	sld [smem:$0x3FAE]  }
0x2e: {  	s3 =	simm.s32 @!p0 $0x1082;
	s9 =	sld [smem:$0x3FAF]  }
0x2f: {  	lr =	sadd.s32 s0, s3;
	s0 =	sld [smem:$0x3FA6]  }
0x30: {  	s3 =	sld [smem:$0x3FA9]  }
0x31: {  	[smem:$0x3FB2] =	sst s10  }
0x32: {  	s10 =	sld [smem:$0x3FB0];
	_ =	sdelay $0x3  }
0x33: {  	p0 =	seq.s32 s10, $0x1;
	s10 =	sld [smem:$0x3FB2];
	_ =	sdelay $0x3  }
0x34: {  	[smem:$0x3FB2] =	sst s10  }
0x35: {  	s10 =	sld [smem:$0x3FB1];
	_ =	sdelay $0x3  }
0x36: {  	p1 =	seq.s32 s10, $0x1;
	s10 =	sld [smem:$0x3FB2];
	_ =	sdelay $0x3  }
0x37: {  	[smem:$0x3FB2] =	sst s10  }
0x38: {  	s10 =	sld [smem:$0x3FB3]  }
0x39: {  	_ = 	snop;
	(pc) =	sbr.ind lr, $3  }
0x3a: {  	_ = 	snop  }
0x3b: {  	_ = 	snop  }
0x3c: {  	p2 =	seq.s32 s10, $0x1;
	s10 =	sld [smem:$0x3FB2]  }
0x3d: {  	_ =	shalt  }
0x3e: {  	_ =	shalt  }
0x3f: {  	_ =	shalt  }
0x40: {  	_ =	shalt  }
0x41: {  	_ =	shalt  }
0x42: {  	_ =	shalt  }
0x43: {  	_ =	shalt  }
0x44: {  	_ =	shalt  }
0x45: {  	_ =	shalt  }
0x46: {  	_ =	shalt  }
0x47: {  	_ =	shalt  }
0x48: {  	_ =	shalt  }
0x49: {  	_ =	shalt  }
0x4a: {  	_ =	shalt  }
0x4b: {  	_ =	shalt  }
0x4c: {  	_ =	shalt  }
0x4d: {  	_ =	shalt  }
0x4e: {  	_ =	shalt  }
0x4f: {  	_ =	shalt  }
0x50: {  	_ =	shalt  }
0x51: {  	_ =	shalt  }
0x52: {  	_ =	shalt  }
0x53: {  	_ =	shalt  }
0x54: {  	_ =	shalt  }
0x55: {  	_ =	shalt  }
0x56: {  	_ =	shalt  }
0x57: {  	_ =	shalt  }
0x58: {  	_ =	shalt  }
0x59: {  	_ =	shalt  }
0x5a: {  	_ =	shalt  }
0x5b: {  	_ =	shalt  }
0x5c: {  	_ =	shalt  }
0x5d: {  	_ =	shalt  }
0x5e: {  	_ =	shalt  }
0x5f: {  	_ =	shalt  }
0x60: {  	_ =	shalt  }
0x61: {  	_ =	shalt  }
0x62: {  	_ =	shalt  }
0x63: {  	_ =	shalt  }
0x64: {  	_ =	shalt  }
0x65: {  	_ =	shalt  }
0x66: {  	_ =	shalt  }
0x67: {  	_ =	shalt  }
0x68: {  	_ =	shalt  }
0x69: {  	_ =	shalt  }
0x6a: {  	_ =	shalt  }
0x6b: {  	_ =	shalt  }
0x6c: {  	_ =	shalt  }
0x6d: {  	_ =	shalt  }
0x6e: {  	_ =	shalt  }
0x6f: {  	_ =	shalt  }
0x70: {  	_ =	shalt  }
0x71: {  	_ =	shalt  }
0x72: {  	_ =	shalt  }
0x73: {  	_ =	shalt  }
0x74: {  	_ =	shalt  }
0x75: {  	_ =	shalt  }
0x76: {  	_ =	shalt  }
0x77: {  	_ =	shalt  }
0x78: {  	_ =	shalt  }
0x79: {  	_ =	shalt  }
0x7a: {  	_ =	shalt  }
0x7b: {  	_ =	shalt  }
0x7c: {  	_ =	shalt  }
0x7d: {  	_ =	shalt  }
0x7e: {  	_ =	shalt  }
0x7f: {  	_ =	shalt  }
0x80: {  	_ =	shalt  }
0x81: {  	_ =	shalt  }
0x82: {  	_ =	shalt  }
0x83: {  	_ =	shalt  }
0x84: {  	_ =	shalt  }
0x85: {  	_ =	shalt  }
0x86: {  	_ =	shalt  }
0x87: {  	_ =	shalt  }
.Lfunc_end0:
.L_simem_size_0:
called_computation.1_lowered:
.L_overlay_start_0:
0x88: {  	s2 =	sld [smem:$0x3FD9]  }
0x89: {  	s3 =	sld [smem:$0x3FFE];
	_ =	sdelay $0x1  }
0x8a: {  	s1 =	srdreg.scid  }
0x8b: {  	s0 =	sand.u32 $0x1, s1  }
0x8c: {  	s16 =	sshll.u32 s0, $0xA;
	s2 =	sadd.s32 s3, s2  }
0x8d: {  	s2 =	sadd.s32 s2, s16  }
0x8e: {  	[smem:$0x3FBE] =	sst s2  }
0x8f: {  	_ = 	snop  }
0x90: {  	(tm) =	ssettm $0x1  }
0x91: {  	s17 =	sld [smem:$0x3FFB];
	_ =	sdelay $0x3  }
0x92: {  	_ =	strace s17  }
0x93: {  	s2 =	sld [smem:$0x3FFC];
	_ =	sdelay $0x3  }
0x94: {  	_ =	strace s2  }
0x95: {  	s2 =	sld [smem:$0x3FFD];
	_ =	sdelay $0x3  }
0x96: {  	_ =	strace s2  }
0x97: {  	_ =	strace $0x8FFFFFFF  }
0x98: {  	s18 =	sld [smem:$0x3FDB];
	_ =	sdelay $0x1  }
0x99: {  	s19 =	simm.s32 $_scs_section_size  }
0x9a: {  	s4 =	simm.s32 $_size__tile_overlayer_lowered;
	s5 =	simm.s32 $_tile_overlayer_lowered  }
0x9b: {  	s22 =	simm.s32 $0x1BFF;
	s21 =	sshll.u32 s5, $0x1;
	s2 =	sadd.s32 s19, s18  }
0x9c: {  	s6 =	simm.s32 $0x0;
	s20 =	sshll.u32 s4, $0x1;
	s4 =	sadd.s32 s21, s2  }
0x9d: {  	[timem:s6], [sflag:s22] =	dma.local [hbm:s4], s20  }
0x9e: {  	_ =	swait.ge [sflag:s22], s20  }
0x9f: {  	s3 =	ssub.s32 $0x0, s20;
	[sflag:s22] =	ssyncset.done $0x0  }
0xa0: {  	[sflag:s22] =	ssyncadd.s32 s3;
	_ =	sdelay $0x1  }
0xa1: {  	s23 =	simm.s32 $0x1B8B  }
0xa2: {  	_ =	swait.ge [sflag:s23], $0x1  }
0xa3: {  	[sflag:s23] =	ssyncset.done $0x0  }
0xa4: {  	s25 =	simm.s32 $0x1B8E;
	s24 =	sld [smem:$0x3FFE];
	[sflag:s23] =	ssyncadd.s32 $0xFFFFFFFF  }
0xa5: {  	s26 =	simm.s32 $execute0_lowered;
	[smem:$0x3FD2] =	sst s25  }
0xa6: {  	s4 =	sshll.u32 s26, $0x1;
	_ =	strace $0x80000049;
	[dreg:$0x1] =	wrdreg $0xFFFFFFFF  }
0xa7: {  	s28 =	simm.s32 $_size_execute0_lowered;
	s2 =	sadd.s32 s2, s4;
	[dreg:$0x0] =	wrdreg $0x0  }
0xa8: {  	s4 =	sshll.u32 s28, $0x1;
	[dreg:$0x2] =	wrdreg s2  }
0xa9: {  	[dreg:$0x3] =	wrdreg s4  }
0xaa: {  	[dreg:$0x4] =	wrdreg $0xC0  }
0xab: {  	_ =	task [dreg:s6], $0x5FFFF  }
0xac: {  	[dreg:$0x1] =	wrdreg $0xFFFFFFFF  }
0xad: {  	[dreg:$0x0] =	wrdreg $0x60  }
0xae: {  	[dreg:$0x2] =	wrdreg s24  }
0xaf: {  	[dreg:$0x3] =	wrdreg $0x8E800  }
0xb0: {  	[dreg:$0x4] =	wrdreg $0x9  }
0xb1: {  	_ =	task.clear_ibuf [dreg:s6], $0x5FFFF;
	_ =	strace $0x90000049  }
0xb2: {  	s29 =	simm.s32 $0x9;
	_ =	strace $0x8000004B  }
0xb3: {  	_ =	swait.ge [sflag:s29], $0x1  }
0xb4: {  	[sflag:s29] =	ssyncadd.s32 $0xFFFFFFFF  }
0xb5: {  	_ =	strace $0x9000004B  }
0xb6: {  	_ =	sfence  }
0xb7: {  	s30 =	sld [smem:$0x0];
	_ =	sdelay $0x2  }
0xb8: {  	s31 =	sshll.u32 s1, $0xD;
	s1 =	sshrl.u32 s1, $0x2  }
0xb9: {  	s3 =	sand.u32 $0x4000, s31;
	s1 =	sadd.s32 s1, s30  }
0xba: {  	s0 =	sor.u32 s3, s0;
	s1 =	sshll.u32 s1, $0x11  }
0xbb: {  	s0 =	sor.u32 s1, s0  }
0xbc: {  	s0 =	sadd.s32 $0x8F2B, s0  }
0xbd: {  	[sflag:s0] =	ssyncadd.remote.s32 $0x1  }
0xbe: {  	_ =	sfence.sel $0xFFFF  }
0xbf: {  	[dreg:$0x0] =	wrdreg $0xFFFFFFFF;
	(pc) =	sbr.abs _section_cstart, $3  }
0xc0: {  	[dreg:$0x1] =	wrdreg $0xFFFFFFFF  }
0xc1: {  	_ =	task.clear_ibuf [dreg:s6], $0x2FFFF;
	_ =	strace $0x9FFFFFFF  }
0xc2: {  	(tm) =	ssettm $0x7FFFFFFF  }
0xc3: {  	_ =	shalt  }
tec
execute0_lowered:
.L_overlay_start_1:
0x0: {  	(tag) =	ssettag $0x1  }
0x1: {  	s6 =	rddreg [dreg:$0x0]  }
0x2: {  	s0 =	srdreg.scid;
	s2 =	rddreg [dreg:$0x1]  }
0x3: {  	s3 =	simm.s32 $0x0;
	s14 =	simm.s32 $0x7D;
	s15 =	simm.s32 $0x5000  }
0x4: {  	s16 =	simm.s32 $0x5FA0;
	s17 =	simm.s32 $0x6F40;
	s18 =	simm.s32 $0x7EE0  }
0x5: {  	s19 =	simm.s32 $0x1;
	s20 =	simm.s32 $0x2;
	s21 =	simm.s32 $0x3  }
0x6: {  	s22 =	simm.s32 $0x4;
	s5 =	sand.u32 $0x1, s0;
	s0 =	stileid.u32  }
0x7: {  	s23 =	simm.s32 $0x0;
	[smem:$0x7FF] =	sst s3;
	s8 =	smul.u32 $0x5000, s0  }
0x8: {  	s4 =	sadd.s32 $0x15400, s6;
	s1 =	sshll.u32 s5, $0x4;
	s9 =	smul.u32 $0x50000, s5  }
0x9: {  	s5 =	ssub.s32 $0x2, s5;
	s12 =	sshll.u32 s0, $0x6;
	s1 =	sor.u32 s0, s1  }
0xa: {  	s11 =	sshrl.u32 s5, $0x1;
	s12 =	sor.u32 $0x1C05, s12;
	s7 =	smul.u32 $0x500, s1  }
0xb: {  	s1 =	rddreg [dreg:$0x2];
	_ =	strace $0x8000004A;
	s9 =	sadd.s32 s8, s9  }
0xc: {  	s10 =	sshrl.u32 s8, $0x3;
	s11 =	ssub.s32 s5, s11;
	s13 =	sadd.s32 s8, s2  }
0xd: {  	s9 =	sshrl.u32 s9, $0x3;
	s10 =	sadd.s32 s10, s6;
	s7 =	sadd.s32 s7, s6  }
0xe: {  	s13 =	sshrl.u32 s13, $0x3;
	s9 =	sadd.s32 s9, s6;
	s5 =	sadd.s32 $0xB400, s7  }
0xf: {  	s6 =	sadd.s32 $0x1400, s7;
	s7 =	sadd.s32 $0x1F200, s10;
	s8 =	sadd.s32 $0x29200, s9  }
0x10: {  	s9 =	smax.u32 s11, $0x1;
	s10 =	simm.s32 $0x5;
	s11 =	simm.s32 $0x2800  }
.LBB2_1:
0x11: {  	[tilespmem:s3], [sflag:$0x5] =	stream.linear.gather [hbm4b:s5+s3], $0x2800, $0x38;
	[tilespmem:$0xDE80] =	vst v63  }
0x12: {  	_ =	swait.ge [sflag:s10], $0x2800  }
0x13: {  	[sflag:s10] =	ssyncset.done $0x0  }
0x14: {  	[sflag:s10] =	ssyncadd.s32 $0xFFFFD800  }
0x15: {  	[tilespmem:s11], [sflag:$0x5] =	stream.linear.gather [hbm4b:s6+s3], $0x2800, $0x38;
	[tilespmem:$0xDE80] =	vst v63  }
0x16: {  	_ =	swait.ge [sflag:s10], $0x2800  }
0x17: {  	[sflag:s10] =	ssyncset.done $0x0  }
0x18: {  	[sflag:s10] =	ssyncadd.s32 $0xFFFFD800  }
0x19: {  	[spmem:s13], [sflag:s12] =	dma.local [hbm:s7], $0xA00  }
0x1a: {  	_ =	swait.ge [sflag:s10], $0xA00  }
0x1b: {  	[sflag:s10] =	ssyncset.done $0x0  }
0x1c: {  	[sflag:s10] =	ssyncadd.s32 $0xFFFFF600  }
0x1d: {  	s24 =	simm.s32 $0x0;
	[bflag:$0x0] =	sbarrier.arrive $0xFFFF  }
0x1e: {  	[tilespmem:s15], [sflag:$0x1] =	stream.indirect.gather [hbm4b:s4+s14], $0x20, s24, s14, $0xb8;
	[tilespmem:$0xDE80] =	vst v63  }
0x1f: {  	s30 =	simm.s32 $0x80  }
0x20: {  	[tilespmem:s16], [sflag:$0x2] =	stream.indirect.gather [hbm4b:s4+s14], $0x20, s30, s14, $0xb8;
	[tilespmem:$0xDE80] =	vst v63  }
0x21: {  	s31 =	simm.s32 $0x100  }
0x22: {  	[tilespmem:s17], [sflag:$0x3] =	stream.indirect.gather [hbm4b:s4+s14], $0x20, s31, s14, $0xb8;
	[tilespmem:$0xDE80] =	vst v63  }
0x23: {  	s25 =	simm.s32 $0x180  }
0x24: {  	[tilespmem:s18], [sflag:$0x4] =	stream.indirect.gather [hbm4b:s4+s14], $0x20, s25, s14, $0xb8;
	[tilespmem:$0xDE80] =	vst v63  }
0x25: {  	_ =	swait.ge [sflag:s19], $0xFA0  }
0x26: {  	[sflag:s19] =	ssyncset.done $0x0  }
0x27: {  	s26 =	simm.s32 $0x2800;
	[sflag:s19] =	ssyncadd.s32 $0xFFFFF060  }
0x28: {  	[spmem:s2] =	stream.indirect.scatter.add.f32 [tilespmem:s15], [sflag:$0x5], $0x20, s26, s14, $0xb8;
	[tilespmem:$0xDE80] =	vst v63  }
0x29: {  	_ =	swait.ge [sflag:s10], $0xFA0  }
0x2a: {  	[sflag:s10] =	ssyncset.done $0x0  }
0x2b: {  	[sflag:s10] =	ssyncadd.s32 $0xFFFFF060  }
0x2c: {  	_ =	swait.ge [sflag:s20], $0xFA0  }
0x2d: {  	[sflag:s20] =	ssyncset.done $0x0  }
0x2e: {  	s29 =	simm.s32 $0x2880;
	[sflag:s20] =	ssyncadd.s32 $0xFFFFF060  }
0x2f: {  	[spmem:s2] =	stream.indirect.scatter.add.f32 [tilespmem:s16], [sflag:$0x5], $0x20, s29, s14, $0xb8;
	[tilespmem:$0xDE80] =	vst v63  }
0x30: {  	_ =	swait.ge [sflag:s10], $0xFA0  }
0x31: {  	[sflag:s10] =	ssyncset.done $0x0  }
0x32: {  	[sflag:s10] =	ssyncadd.s32 $0xFFFFF060  }
0x33: {  	_ =	swait.ge [sflag:s21], $0xFA0  }
0x34: {  	[sflag:s21] =	ssyncset.done $0x0  }
0x35: {  	s30 =	simm.s32 $0x2900;
	[sflag:s21] =	ssyncadd.s32 $0xFFFFF060  }
0x36: {  	[spmem:s2] =	stream.indirect.scatter.add.f32 [tilespmem:s17], [sflag:$0x5], $0x20, s30, s14, $0xb8;
	[tilespmem:$0xDE80] =	vst v63  }
0x37: {  	_ =	swait.ge [sflag:s10], $0xFA0  }
0x38: {  	[sflag:s10] =	ssyncset.done $0x0  }
0x39: {  	[sflag:s10] =	ssyncadd.s32 $0xFFFFF060  }
0x3a: {  	_ =	swait.ge [sflag:s22], $0xFA0  }
0x3b: {  	[sflag:s22] =	ssyncset.done $0x0  }
0x3c: {  	s31 =	simm.s32 $0x2980;
	[sflag:s22] =	ssyncadd.s32 $0xFFFFF060  }
0x3d: {  	[spmem:s2] =	stream.indirect.scatter.add.f32 [tilespmem:s18], [sflag:$0x5], $0x20, s31, s14, $0xb8;
	[tilespmem:$0xDE80] =	vst v63  }
0x3e: {  	_ =	swait.ge [sflag:s10], $0xFA0  }
0x3f: {  	s28 =	simm.s32 $0x1000;
	s24 =	simm.s32 $0x800;
	[sflag:s10] =	ssyncset.done $0x0  }
.LBB2_2:
0x40: {  	s26 =	sshra.s32 s24, $0x2  }
0x41: {  	[sflag:s10] =	ssyncadd.s32 $0xFFFFF060;
	s24 =	smov.u32 s28;
	s25 =	sadd.s32 $0x800, s28  }
0x42: {  	[tilespmem:s15], [sflag:$0x1] =	stream.indirect.gather [hbm4b:s4+s14], $0x20, s26, s14, $0xb8;
	[tilespmem:$0xDE80] =	vst v63  }
0x43: {  	p0 =	sne.s32 s28, $0x9800;
	s28 =	sadd.s32 $0x80, s26  }
0x44: {  	[tilespmem:s16], [sflag:$0x2] =	stream.indirect.gather [hbm4b:s4+s14], $0x20, s28, s14, $0xb8;
	[tilespmem:$0xDE80] =	vst v63  }
0x45: {  	s28 =	sadd.s32 $0x100, s26  }
0x46: {  	[tilespmem:s17], [sflag:$0x3] =	stream.indirect.gather [hbm4b:s4+s14], $0x20, s28, s14, $0xb8;
	[tilespmem:$0xDE80] =	vst v63  }
0x47: {  	s28 =	sadd.s32 $0x180, s26  }
0x48: {  	[tilespmem:s18], [sflag:$0x4] =	stream.indirect.gather [hbm4b:s4+s14], $0x20, s28, s14, $0xb8;
	[tilespmem:$0xDE80] =	vst v63  }
0x49: {  	_ =	swait.ge [sflag:s19], $0xFA0  }
0x4a: {  	[sflag:s19] =	ssyncset.done $0x0  }
0x4b: {  	s28 =	sadd.s32 $0x2800, s26;
	[sflag:s19] =	ssyncadd.s32 $0xFFFFF060  }
0x4c: {  	[spmem:s2] =	stream.indirect.scatter.add.f32 [tilespmem:s15], [sflag:$0x5], $0x20, s28, s14, $0xb8;
	[tilespmem:$0xDE80] =	vst v63  }
0x4d: {  	_ =	swait.ge [sflag:s10], $0xFA0  }
0x4e: {  	[sflag:s10] =	ssyncset.done $0x0  }
0x4f: {  	[sflag:s10] =	ssyncadd.s32 $0xFFFFF060  }
0x50: {  	_ =	swait.ge [sflag:s20], $0xFA0  }
0x51: {  	[sflag:s20] =	ssyncset.done $0x0  }
0x52: {  	s28 =	sadd.s32 $0x2880, s26;
	[sflag:s20] =	ssyncadd.s32 $0xFFFFF060  }
0x53: {  	[spmem:s2] =	stream.indirect.scatter.add.f32 [tilespmem:s16], [sflag:$0x5], $0x20, s28, s14, $0xb8;
	[tilespmem:$0xDE80] =	vst v63  }
0x54: {  	_ =	swait.ge [sflag:s10], $0xFA0  }
0x55: {  	[sflag:s10] =	ssyncset.done $0x0  }
0x56: {  	[sflag:s10] =	ssyncadd.s32 $0xFFFFF060  }
0x57: {  	_ =	swait.ge [sflag:s21], $0xFA0  }
0x58: {  	[sflag:s21] =	ssyncset.done $0x0  }
0x59: {  	s28 =	sadd.s32 $0x2900, s26;
	[sflag:s21] =	ssyncadd.s32 $0xFFFFF060  }
0x5a: {  	[spmem:s2] =	stream.indirect.scatter.add.f32 [tilespmem:s17], [sflag:$0x5], $0x20, s28, s14, $0xb8;
	[tilespmem:$0xDE80] =	vst v63  }
0x5b: {  	_ =	swait.ge [sflag:s10], $0xFA0  }
0x5c: {  	[sflag:s10] =	ssyncset.done $0x0  }
0x5d: {  	[sflag:s10] =	ssyncadd.s32 $0xFFFFF060  }
0x5e: {  	_ =	swait.ge [sflag:s22], $0xFA0  }
.Ltmp0:
0x5f: {  	[sflag:s22] =	ssyncset.done $0x0;
	(pc) =	sbr.rel @p0 .LBB2_2-.Ltmp0, $4  }
0x60: {  	s26 =	sadd.s32 $0x2980, s26;
	[sflag:s22] =	ssyncadd.s32 $0xFFFFF060  }
0x61: {  	[spmem:s2] =	stream.indirect.scatter.add.f32 [tilespmem:s18], [sflag:$0x5], $0x20, s26, s14, $0xb8;
	[tilespmem:$0xDE80] =	vst v63  }
0x62: {  	_ =	swait.ge [sflag:s10], $0xFA0  }
0x63: {  	s28 =	smov.u32 s25;
	[sflag:s10] =	ssyncset.done $0x0  }
0x64: {  	s24 =	sshra.s32 s24, $0x2;
	[sflag:s10] =	ssyncadd.s32 $0xFFFFF060  }
0x65: {  	[tilespmem:s15], [sflag:$0x1] =	stream.indirect.gather [hbm4b:s4+s14], $0x20, s24, s14, $0xb8;
	[tilespmem:$0xDE80] =	vst v63  }
0x66: {  	s25 =	sadd.s32 $0x80, s24  }
0x67: {  	[tilespmem:s16], [sflag:$0x2] =	stream.indirect.gather [hbm4b:s4+s14], $0x20, s25, s14, $0xb8;
	[tilespmem:$0xDE80] =	vst v63  }
0x68: {  	s26 =	sadd.s32 $0x100, s24  }
0x69: {  	[tilespmem:s17], [sflag:$0x3] =	stream.indirect.gather [hbm4b:s4+s14], $0x20, s26, s14, $0xb8;
	[tilespmem:$0xDE80] =	vst v63  }
0x6a: {  	s28 =	sadd.s32 $0x180, s24  }
0x6b: {  	[tilespmem:s18], [sflag:$0x4] =	stream.indirect.gather [hbm4b:s4+s14], $0x20, s28, s14, $0xb8;
	[tilespmem:$0xDE80] =	vst v63  }
0x6c: {  	_ =	swait.ge [sflag:s19], $0xFA0  }
0x6d: {  	[sflag:s19] =	ssyncset.done $0x0  }
0x6e: {  	s29 =	sadd.s32 $0x2800, s24;
	[sflag:s19] =	ssyncadd.s32 $0xFFFFF060  }
0x6f: {  	[spmem:s2] =	stream.indirect.scatter.add.f32 [tilespmem:s15], [sflag:$0x5], $0x20, s29, s14, $0xb8;
	[tilespmem:$0xDE80] =	vst v63  }
0x70: {  	_ =	swait.ge [sflag:s10], $0xFA0  }
0x71: {  	[sflag:s10] =	ssyncset.done $0x0  }
0x72: {  	[sflag:s10] =	ssyncadd.s32 $0xFFFFF060  }
0x73: {  	_ =	swait.ge [sflag:s20], $0xFA0  }
0x74: {  	[sflag:s20] =	ssyncset.done $0x0  }
0x75: {  	s30 =	sadd.s32 $0x2880, s24;
	[sflag:s20] =	ssyncadd.s32 $0xFFFFF060  }
0x76: {  	[spmem:s2] =	stream.indirect.scatter.add.f32 [tilespmem:s16], [sflag:$0x5], $0x20, s30, s14, $0xb8;
	[tilespmem:$0xDE80] =	vst v63  }
0x77: {  	_ =	swait.ge [sflag:s10], $0xFA0  }
0x78: {  	[sflag:s10] =	ssyncset.done $0x0  }
0x79: {  	[sflag:s10] =	ssyncadd.s32 $0xFFFFF060  }
0x7a: {  	_ =	swait.ge [sflag:s21], $0xFA0  }
0x7b: {  	[sflag:s21] =	ssyncset.done $0x0  }
0x7c: {  	s31 =	sadd.s32 $0x2900, s24;
	[sflag:s21] =	ssyncadd.s32 $0xFFFFF060  }
0x7d: {  	[spmem:s2] =	stream.indirect.scatter.add.f32 [tilespmem:s17], [sflag:$0x5], $0x20, s31, s14, $0xb8;
	[tilespmem:$0xDE80] =	vst v63  }
0x7e: {  	_ =	swait.ge [sflag:s10], $0xFA0  }
0x7f: {  	[sflag:s10] =	ssyncset.done $0x0  }
0x80: {  	[sflag:s10] =	ssyncadd.s32 $0xFFFFF060  }
0x81: {  	_ =	swait.ge [sflag:s22], $0xFA0  }
0x82: {  	[sflag:s22] =	ssyncset.done $0x0  }
0x83: {  	s24 =	sadd.s32 $0x2980, s24;
	[sflag:s22] =	ssyncadd.s32 $0xFFFFF060  }
0x84: {  	[spmem:s2] =	stream.indirect.scatter.add.f32 [tilespmem:s18], [sflag:$0x5], $0x20, s24, s14, $0xb8;
	[tilespmem:$0xDE80] =	vst v63  }
0x85: {  	_ =	swait.ge [sflag:s10], $0xFA0  }
0x86: {  	s23 =	sadd.s32 $0x1, s23;
	[sflag:s10] =	ssyncset.done $0x0  }
0x87: {  	p0 =	sne.s32 s23, s9;
	[sflag:s10] =	ssyncadd.s32 $0xFFFFF060  }
.Ltmp1:
0x88: {  	[bflag:$0x0] =	sbarrier.arrive $0xFFFF;
	(pc) =	sbr.rel @p0 .LBB2_1-.Ltmp1, $4  }
0x89: {  	[hbm:s8], [sflag:s12] =	dma.local [spmem:s13], $0xA00  }
0x8a: {  	_ =	swait.ge [sflag:s10], $0xA00  }
0x8b: {  	[sflag:s10] =	ssyncset.done $0x0  }
0x8c: {  	[sflag:s10] =	ssyncadd.s32 $0xFFFFF600  }
0x8d: {  	_ =	sfence.sel $0x180000  }
0x8e: {  	[bflag:$0x0] =	sbarrier.arrive $0xFFFF  }
0x8f: {  	p0 =	sne.s32 s0, $0x0;
	_ =	strace $0x9000004A  }
0x90: {  	s0 =	sadd.s32 @!p0 $0x100000, s1;
	[bflag:$0x2] =	sbarrier.arrive $0xFFFF  }
0x91: {  	[sflag:s0] =	ssyncadd.tile.s32 @!p0 $0x1;
	_ =	shalt  }
.Lfunc_end2:
_tile_overlayer_lowered:
.L_overlay_start_2:
0x92: {  	(tag) =	ssettag $0x2  }
0x93: {  	s0 =	rddreg [dreg:$0x0];
	s2 =	stileid.u32  }
0x94: {  	s1 =	rddreg [dreg:$0x1];
	p0 =	sne.s32 s2, $0x0  }
0x95: {  	s3 =	rddreg [dreg:$0x2];
	[bflag:$0x3] =	sbarrier.arrive $0xFFFF;
	s2 =	simm.s32 @!p0 $0x1C05  }
0x96: {  	[timem:s3], [sflag:s2] =	dma.local @!p0 [hbm:s0], s1  }
0x97: {  	s0 =	simm.s32 @!p0 $0x5  }
0x98: {  	_ =	swait.ge @!p0 [sflag:s0], s1  }
0x99: {  	s1 =	ssub.s32 @!p0 $0x0, s1;
	[sflag:s0] =	ssyncset.done @!p0 $0x0  }
0x9a: {  	[sflag:s0] =	ssyncadd.s32 @!p0 s1  }
0x9b: {  	[bflag:$0x3] =	sbarrier.arrive $0xFFFF  }
0x9c: {  	_ =	shalt  }

// kernel: kernel.7.cloned.1.call-start
scs
__scs_entry_jumppad:
0x0: {  	(pc) =	sbr.rel $0x88, $3  }
0x1: {  	(tag) =	ssettag $0x0;
	lr =	simm.s32 $0x1  }
0x2: {  	[smem:$0x3F97] =	sst lr;
	_ =	strace $0xD0000000  }
0x3: {  	_ = 	snop  }
0x4: {  	_ = 	snop  }
0x5: {  	_ = 	snop  }
0x6: {  	_ = 	snop  }
0x7: {  	_ = 	snop  }
__scs_overlays_trampoline_lowered:
0x8: {  	[smem:$0x3FA6] =	sst s0  }
0x9: {  	[smem:$0x3FA7] =	sst s1  }
0xa: {  	[smem:$0x3FA8] =	sst s2  }
0xb: {  	[smem:$0x3FA9] =	sst s3  }
0xc: {  	[smem:$0x3FAA] =	sst s4  }
0xd: {  	[smem:$0x3FAB] =	sst s5  }
0xe: {  	[smem:$0x3FAC] =	sst s6  }
0xf: {  	[smem:$0x3FAD] =	sst s7  }
0x10: {  	[smem:$0x3FAE] =	sst s8  }
0x11: {  	[smem:$0x3FAF] =	sst s9;
	s0 =	simm.s32 @!p0 $0x0  }
0x12: {  	s1 =	sld [smem:$0x3F95];
	s0 =	simm.s32 @p0 $0x1  }
0x13: {  	[smem:$0x3FB0] =	sst s0;
	s0 =	simm.s32 @!p1 $0x0  }
0x14: {  	s2 =	sld [smem:$0x3F94];
	s0 =	simm.s32 @p1 $0x1  }
0x15: {  	[smem:$0x3FB1] =	sst s0;
	s0 =	simm.s32 @!p2 $0x0  }
0x16: {  	s3 =	sld [smem:$0x3FDB];
	s0 =	simm.s32 @p2 $0x1  }
0x17: {  	s4 =	simm.s32 $0x1BF5;
	[smem:$0x3FB3] =	sst s0  }
0x18: {  	s0 =	sld [smem:$0x3F96];
	_ =	swait.ge [sflag:s4], $0x0  }
0x19: {  	s7 =	sld [smem:$0x3F97]  }
0x1a: {  	s8 =	sadd.s32 $0xFFFFE003, lr  }
0x1b: {  	s9 =	sadd.s32 $0xFFFFFEF7, lr;
	s5 =	simm.s32 $0xFFFFFFFF;
	p2 =	slt.u32 s8, $0xFFFFF086  }
0x1c: {  	p1 =	slt.u32 s9, $0xF7A;
	s5 =	simm.s32 @!p2 $0x0  }
0x1d: {  	s5 =	simm.s32 @p1 $0x1;
	p0 =	seq.s32 s7, s2  }
0x1e: {  	s7 =	smul.u32 @!p0 $0xF7A, s2;
	p2 =	seq.s32 @!p0 s5, $0x0  }
0x1f: {  	s9 =	smul.u32 $0xF7A, s1;
	s8 =	simm.s32 @!p0 $0x1BF5;
	p2 =	por !p2, p0  }
0x20: {  	[sflag:s8] =	ssyncset.s32 @!p0 $0xFFFFF086;
	s6 =	sadd.s32 @!p0 s3, s7;
	s7 =	simm.s32 @!p0 $0x108  }
0x21: {  	s3 =	sadd.s32 s3, s9;
	s6 =	sadd.s32 @!p0 $0x88, s6;
	s7 =	simm.s32 @p2 $0x1082  }
0x22: {  	[simem:s7], [sflag:s8] =	dma.local @!p0 [hbm:s6], $0xF7A  }
0x23: {  	s9 =	sor.u32 $0xD0000000, s2;
	s6 =	simm.s32 $0x108;
	_ =	swait.ge @!p0 [sflag:s8], $0x0  }
0x24: {  	s3 =	sadd.s32 $0x88, s3;
	s6 =	simm.s32 @!p1 $0x1082;
	[sflag:s4] =	ssyncset.s32 $0xFFFFF086  }
0x25: {  	[simem:s6], [sflag:s4] =	dma.local [hbm:s3], $0xF7A  }
0x26: {  	[smem:$0x3F97] =	sst s1;
	(tag) =	ssettag s2;
	_ =	strace s9  }
0x27: {  	s1 =	sld [smem:$0x3FA7]  }
0x28: {  	s2 =	sld [smem:$0x3FA8]  }
0x29: {  	s4 =	sld [smem:$0x3FAA]  }
0x2a: {  	p0 =	seq.s32 s5, $0x0;
	s5 =	sld [smem:$0x3FAB]  }
0x2b: {  	s6 =	sld [smem:$0x3FAC]  }
0x2c: {  	s7 =	sld [smem:$0x3FAD]  }
0x2d: {  	s3 =	simm.s32 $0x108;
	s8 =	sld [smem:$0x3FAE]  }
0x2e: {  	s3 =	simm.s32 @!p0 $0x1082;
	s9 =	sld [smem:$0x3FAF]  }
0x2f: {  	lr =	sadd.s32 s0, s3;
	s0 =	sld [smem:$0x3FA6]  }
0x30: {  	s3 =	sld [smem:$0x3FA9]  }
0x31: {  	[smem:$0x3FB2] =	sst s10  }
0x32: {  	s10 =	sld [smem:$0x3FB0];
	_ =	sdelay $0x3  }
0x33: {  	p0 =	seq.s32 s10, $0x1;
	s10 =	sld [smem:$0x3FB2];
	_ =	sdelay $0x3  }
0x34: {  	[smem:$0x3FB2] =	sst s10  }
0x35: {  	s10 =	sld [smem:$0x3FB1];
	_ =	sdelay $0x3  }
0x36: {  	p1 =	seq.s32 s10, $0x1;
	s10 =	sld [smem:$0x3FB2];
	_ =	sdelay $0x3  }
0x37: {  	[smem:$0x3FB2] =	sst s10  }
0x38: {  	s10 =	sld [smem:$0x3FB3]  }
0x39: {  	_ = 	snop;
	(pc) =	sbr.ind lr, $3  }
0x3a: {  	_ = 	snop  }
0x3b: {  	_ = 	snop  }
0x3c: {  	p2 =	seq.s32 s10, $0x1;
	s10 =	sld [smem:$0x3FB2]  }
0x3d: {  	_ =	shalt  }
0x3e: {  	_ =	shalt  }
0x3f: {  	_ =	shalt  }
0x40: {  	_ =	shalt  }
0x41: {  	_ =	shalt  }
0x42: {  	_ =	shalt  }
0x43: {  	_ =	shalt  }
0x44: {  	_ =	shalt  }
0x45: {  	_ =	shalt  }
0x46: {  	_ =	shalt  }
0x47: {  	_ =	shalt  }
0x48: {  	_ =	shalt  }
0x49: {  	_ =	shalt  }
0x4a: {  	_ =	shalt  }
0x4b: {  	_ =	shalt  }
0x4c: {  	_ =	shalt  }
0x4d: {  	_ =	shalt  }
0x4e: {  	_ =	shalt  }
0x4f: {  	_ =	shalt  }
0x50: {  	_ =	shalt  }
0x51: {  	_ =	shalt  }
0x52: {  	_ =	shalt  }
0x53: {  	_ =	shalt  }
0x54: {  	_ =	shalt  }
0x55: {  	_ =	shalt  }
0x56: {  	_ =	shalt  }
0x57: {  	_ =	shalt  }
0x58: {  	_ =	shalt  }
0x59: {  	_ =	shalt  }
0x5a: {  	_ =	shalt  }
0x5b: {  	_ =	shalt  }
0x5c: {  	_ =	shalt  }
0x5d: {  	_ =	shalt  }
0x5e: {  	_ =	shalt  }
0x5f: {  	_ =	shalt  }
0x60: {  	_ =	shalt  }
0x61: {  	_ =	shalt  }
0x62: {  	_ =	shalt  }
0x63: {  	_ =	shalt  }
0x64: {  	_ =	shalt  }
0x65: {  	_ =	shalt  }
0x66: {  	_ =	shalt  }
0x67: {  	_ =	shalt  }
0x68: {  	_ =	shalt  }
0x69: {  	_ =	shalt  }
0x6a: {  	_ =	shalt  }
0x6b: {  	_ =	shalt  }
0x6c: {  	_ =	shalt  }
0x6d: {  	_ =	shalt  }
0x6e: {  	_ =	shalt  }
0x6f: {  	_ =	shalt  }
0x70: {  	_ =	shalt  }
0x71: {  	_ =	shalt  }
0x72: {  	_ =	shalt  }
0x73: {  	_ =	shalt  }
0x74: {  	_ =	shalt  }
0x75: {  	_ =	shalt  }
0x76: {  	_ =	shalt  }
0x77: {  	_ =	shalt  }
0x78: {  	_ =	shalt  }
0x79: {  	_ =	shalt  }
0x7a: {  	_ =	shalt  }
0x7b: {  	_ =	shalt  }
0x7c: {  	_ =	shalt  }
0x7d: {  	_ =	shalt  }
0x7e: {  	_ =	shalt  }
0x7f: {  	_ =	shalt  }
0x80: {  	_ =	shalt  }
0x81: {  	_ =	shalt  }
0x82: {  	_ =	shalt  }
0x83: {  	_ =	shalt  }
0x84: {  	_ =	shalt  }
0x85: {  	_ =	shalt  }
0x86: {  	_ =	shalt  }
0x87: {  	_ =	shalt  }
.Lfunc_end0:
.L_simem_size_0:
called_computation_lowered:
.L_overlay_start_0:
0x88: {  	s2 =	sld [smem:$0x3FD9]  }
0x89: {  	s3 =	sld [smem:$0x3FFE];
	_ =	sdelay $0x1  }
0x8a: {  	s1 =	srdreg.scid  }
0x8b: {  	s0 =	sand.u32 $0x1, s1  }
0x8c: {  	s16 =	sshll.u32 s0, $0xA;
	s2 =	sadd.s32 s3, s2  }
0x8d: {  	s2 =	sadd.s32 s2, s16  }
0x8e: {  	[smem:$0x3FBE] =	sst s2  }
0x8f: {  	_ = 	snop  }
0x90: {  	(tm) =	ssettm $0x1  }
0x91: {  	s17 =	sld [smem:$0x3FFB];
	_ =	sdelay $0x3  }
0x92: {  	_ =	strace s17  }
0x93: {  	s2 =	sld [smem:$0x3FFC];
	_ =	sdelay $0x3  }
0x94: {  	_ =	strace s2  }
0x95: {  	s2 =	sld [smem:$0x3FFD];
	_ =	sdelay $0x3  }
0x96: {  	_ =	strace s2  }
0x97: {  	_ =	strace $0x8FFFFFFF  }
0x98: {  	s18 =	sld [smem:$0x3FDB];
	_ =	sdelay $0x1  }
0x99: {  	s19 =	simm.s32 $_scs_section_size  }
0x9a: {  	s4 =	simm.s32 $_size__tile_overlayer_lowered;
	s5 =	simm.s32 $_tile_overlayer_lowered  }
0x9b: {  	s22 =	simm.s32 $0x1BFF;
	s21 =	sshll.u32 s5, $0x1;
	s2 =	sadd.s32 s19, s18  }
0x9c: {  	s6 =	simm.s32 $0x0;
	s20 =	sshll.u32 s4, $0x1;
	s4 =	sadd.s32 s21, s2  }
0x9d: {  	[timem:s6], [sflag:s22] =	dma.local [hbm:s4], s20  }
0x9e: {  	_ =	swait.ge [sflag:s22], s20  }
0x9f: {  	s3 =	ssub.s32 $0x0, s20;
	[sflag:s22] =	ssyncset.done $0x0  }
0xa0: {  	[sflag:s22] =	ssyncadd.s32 s3;
	_ =	sdelay $0x1  }
0xa1: {  	s23 =	simm.s32 $0x1B8B  }
0xa2: {  	_ =	swait.ge [sflag:s23], $0x1  }
0xa3: {  	[sflag:s23] =	ssyncset.done $0x0  }
0xa4: {  	s25 =	simm.s32 $0x1B8E;
	s24 =	sld [smem:$0x3FFE];
	[sflag:s23] =	ssyncadd.s32 $0xFFFFFFFF  }
0xa5: {  	s26 =	simm.s32 $execute0_lowered;
	[smem:$0x3FD2] =	sst s25  }
0xa6: {  	s4 =	sshll.u32 s26, $0x1;
	_ =	strace $0x80000046;
	[dreg:$0x1] =	wrdreg $0xFFFFFFFF  }
0xa7: {  	s28 =	simm.s32 $_size_execute0_lowered;
	s2 =	sadd.s32 s2, s4;
	[dreg:$0x0] =	wrdreg $0x0  }
0xa8: {  	s4 =	sshll.u32 s28, $0x1;
	[dreg:$0x2] =	wrdreg s2  }
0xa9: {  	[dreg:$0x3] =	wrdreg s4  }
0xaa: {  	[dreg:$0x4] =	wrdreg $0xC0  }
0xab: {  	_ =	task [dreg:s6], $0x5FFFF  }
0xac: {  	[dreg:$0x1] =	wrdreg $0xFFFFFFFF  }
0xad: {  	[dreg:$0x0] =	wrdreg $0x60  }
0xae: {  	[dreg:$0x2] =	wrdreg s24  }
0xaf: {  	[dreg:$0x3] =	wrdreg $0xEC400  }
0xb0: {  	[dreg:$0x4] =	wrdreg $0x9  }
0xb1: {  	_ =	task.clear_ibuf [dreg:s6], $0x5FFFF;
	_ =	strace $0x90000046  }
0xb2: {  	s29 =	simm.s32 $0x9;
	_ =	strace $0x80000048  }
0xb3: {  	_ =	swait.ge [sflag:s29], $0x1  }
0xb4: {  	[sflag:s29] =	ssyncadd.s32 $0xFFFFFFFF  }
0xb5: {  	_ =	strace $0x90000048  }
0xb6: {  	_ =	sfence  }
0xb7: {  	s30 =	sld [smem:$0x0];
	_ =	sdelay $0x2  }
0xb8: {  	s31 =	sshll.u32 s1, $0xD;
	s1 =	sshrl.u32 s1, $0x2  }
0xb9: {  	s3 =	sand.u32 $0x4000, s31;
	s1 =	sadd.s32 s1, s30  }
0xba: {  	s0 =	sor.u32 s3, s0;
	s1 =	sshll.u32 s1, $0x11  }
0xbb: {  	s0 =	sor.u32 s1, s0  }
0xbc: {  	s0 =	sadd.s32 $0x8F2B, s0  }
0xbd: {  	[sflag:s0] =	ssyncadd.remote.s32 $0x1  }
0xbe: {  	_ =	sfence.sel $0xFFFF  }
0xbf: {  	[dreg:$0x0] =	wrdreg $0xFFFFFFFF;
	(pc) =	sbr.abs _section_cstart, $3  }
0xc0: {  	[dreg:$0x1] =	wrdreg $0xFFFFFFFF  }
0xc1: {  	_ =	task.clear_ibuf [dreg:s6], $0x2FFFF;
	_ =	strace $0x9FFFFFFF  }
0xc2: {  	(tm) =	ssettm $0x7FFFFFFF  }
0xc3: {  	_ =	shalt  }
tec
execute0_lowered:
.L_overlay_start_1:
0x0: {  	(tag) =	ssettag $0x1  }
0x1: {  	s6 =	rddreg [dreg:$0x0]  }
0x2: {  	s0 =	srdreg.scid;
	s2 =	rddreg [dreg:$0x1]  }
0x3: {  	s3 =	simm.s32 $0x0;
	s14 =	simm.s32 $0x7D;
	s15 =	simm.s32 $0x5000  }
0x4: {  	s16 =	simm.s32 $0x7710;
	s17 =	simm.s32 $0x9E20;
	s18 =	simm.s32 $0xC530  }
0x5: {  	s19 =	simm.s32 $0x1;
	s20 =	simm.s32 $0x2;
	s21 =	simm.s32 $0x3  }
0x6: {  	s22 =	simm.s32 $0x4;
	s5 =	sand.u32 $0x1, s0;
	s0 =	stileid.u32  }
0x7: {  	s23 =	simm.s32 $0x0;
	[smem:$0x7FF] =	sst s3;
	s8 =	smul.u32 $0xC800, s0  }
0x8: {  	s4 =	sadd.s32 $0x15400, s6;
	s1 =	sshll.u32 s5, $0x4;
	s9 =	smul.u32 $0xC8000, s5  }
0x9: {  	s5 =	ssub.s32 $0x2, s5;
	s12 =	sshll.u32 s0, $0x6;
	s1 =	sor.u32 s0, s1  }
0xa: {  	s11 =	sshrl.u32 s5, $0x1;
	s12 =	sor.u32 $0x1C05, s12;
	s7 =	smul.u32 $0x500, s1  }
0xb: {  	s1 =	rddreg [dreg:$0x2];
	_ =	strace $0x80000047;
	s9 =	sadd.s32 s8, s9  }
0xc: {  	s10 =	sshrl.u32 s8, $0x3;
	s11 =	ssub.s32 s5, s11;
	s13 =	sadd.s32 s8, s2  }
0xd: {  	s9 =	sshrl.u32 s9, $0x3;
	s10 =	sadd.s32 s10, s6;
	s7 =	sadd.s32 s7, s6  }
0xe: {  	s13 =	sshrl.u32 s13, $0x3;
	s9 =	sadd.s32 s9, s6;
	s5 =	sadd.s32 $0xB400, s7  }
0xf: {  	s6 =	sadd.s32 $0x1400, s7;
	s7 =	sadd.s32 $0x2DC00, s10;
	s8 =	sadd.s32 $0x46C00, s9  }
0x10: {  	s9 =	smax.u32 s11, $0x1;
	s10 =	simm.s32 $0x5;
	s11 =	simm.s32 $0x2800  }
.LBB2_1:
0x11: {  	[tilespmem:s3], [sflag:$0x5] =	stream.linear.gather [hbm4b:s5+s3], $0x2800, $0x38;
	[tilespmem:$0x1B440] =	vst v63  }
0x12: {  	_ =	swait.ge [sflag:s10], $0x2800  }
0x13: {  	[sflag:s10] =	ssyncset.done $0x0  }
0x14: {  	[sflag:s10] =	ssyncadd.s32 $0xFFFFD800  }
0x15: {  	[tilespmem:s11], [sflag:$0x5] =	stream.linear.gather [hbm4b:s6+s3], $0x2800, $0x38;
	[tilespmem:$0x1B440] =	vst v63  }
0x16: {  	_ =	swait.ge [sflag:s10], $0x2800  }
0x17: {  	[sflag:s10] =	ssyncset.done $0x0  }
0x18: {  	[sflag:s10] =	ssyncadd.s32 $0xFFFFD800  }
0x19: {  	[spmem:s13], [sflag:s12] =	dma.local [hbm:s7], $0x1900  }
0x1a: {  	_ =	swait.ge [sflag:s10], $0x1900  }
0x1b: {  	[sflag:s10] =	ssyncset.done $0x0  }
0x1c: {  	[sflag:s10] =	ssyncadd.s32 $0xFFFFE700  }
0x1d: {  	s24 =	simm.s32 $0x0;
	[bflag:$0x0] =	sbarrier.arrive $0xFFFF  }
0x1e: {  	[tilespmem:s15], [sflag:$0x1] =	stream.indirect.gather [hbm4b:s4+s14], $0x50, s24, s14, $0xb8;
	[tilespmem:$0x1B440] =	vst v63  }
0x1f: {  	s30 =	simm.s32 $0x80  }
0x20: {  	[tilespmem:s16], [sflag:$0x2] =	stream.indirect.gather [hbm4b:s4+s14], $0x50, s30, s14, $0xb8;
	[tilespmem:$0x1B440] =	vst v63  }
0x21: {  	s31 =	simm.s32 $0x100  }
0x22: {  	[tilespmem:s17], [sflag:$0x3] =	stream.indirect.gather [hbm4b:s4+s14], $0x50, s31, s14, $0xb8;
	[tilespmem:$0x1B440] =	vst v63  }
0x23: {  	s25 =	simm.s32 $0x180  }
0x24: {  	[tilespmem:s18], [sflag:$0x4] =	stream.indirect.gather [hbm4b:s4+s14], $0x50, s25, s14, $0xb8;
	[tilespmem:$0x1B440] =	vst v63  }
0x25: {  	_ =	swait.ge [sflag:s19], $0x2710  }
0x26: {  	[sflag:s19] =	ssyncset.done $0x0  }
0x27: {  	s26 =	simm.s32 $0x2800;
	[sflag:s19] =	ssyncadd.s32 $0xFFFFD8F0  }
0x28: {  	[spmem:s2] =	stream.indirect.scatter.add.f32 [tilespmem:s15], [sflag:$0x5], $0x50, s26, s14, $0xb8;
	[tilespmem:$0x1B440] =	vst v63  }
0x29: {  	_ =	swait.ge [sflag:s10], $0x2710  }
0x2a: {  	[sflag:s10] =	ssyncset.done $0x0  }
0x2b: {  	[sflag:s10] =	ssyncadd.s32 $0xFFFFD8F0  }
0x2c: {  	_ =	swait.ge [sflag:s20], $0x2710  }
0x2d: {  	[sflag:s20] =	ssyncset.done $0x0  }
0x2e: {  	s29 =	simm.s32 $0x2880;
	[sflag:s20] =	ssyncadd.s32 $0xFFFFD8F0  }
0x2f: {  	[spmem:s2] =	stream.indirect.scatter.add.f32 [tilespmem:s16], [sflag:$0x5], $0x50, s29, s14, $0xb8;
	[tilespmem:$0x1B440] =	vst v63  }
0x30: {  	_ =	swait.ge [sflag:s10], $0x2710  }
0x31: {  	[sflag:s10] =	ssyncset.done $0x0  }
0x32: {  	[sflag:s10] =	ssyncadd.s32 $0xFFFFD8F0  }
0x33: {  	_ =	swait.ge [sflag:s21], $0x2710  }
0x34: {  	[sflag:s21] =	ssyncset.done $0x0  }
0x35: {  	s30 =	simm.s32 $0x2900;
	[sflag:s21] =	ssyncadd.s32 $0xFFFFD8F0  }
0x36: {  	[spmem:s2] =	stream.indirect.scatter.add.f32 [tilespmem:s17], [sflag:$0x5], $0x50, s30, s14, $0xb8;
	[tilespmem:$0x1B440] =	vst v63  }
0x37: {  	_ =	swait.ge [sflag:s10], $0x2710  }
0x38: {  	[sflag:s10] =	ssyncset.done $0x0  }
0x39: {  	[sflag:s10] =	ssyncadd.s32 $0xFFFFD8F0  }
0x3a: {  	_ =	swait.ge [sflag:s22], $0x2710  }
0x3b: {  	[sflag:s22] =	ssyncset.done $0x0  }
0x3c: {  	s31 =	simm.s32 $0x2980;
	[sflag:s22] =	ssyncadd.s32 $0xFFFFD8F0  }
0x3d: {  	[spmem:s2] =	stream.indirect.scatter.add.f32 [tilespmem:s18], [sflag:$0x5], $0x50, s31, s14, $0xb8;
	[tilespmem:$0x1B440] =	vst v63  }
0x3e: {  	_ =	swait.ge [sflag:s10], $0x2710  }
0x3f: {  	s28 =	simm.s32 $0x1000;
	s24 =	simm.s32 $0x800;
	[sflag:s10] =	ssyncset.done $0x0  }
.LBB2_2:
0x40: {  	s26 =	sshra.s32 s24, $0x2  }
0x41: {  	[sflag:s10] =	ssyncadd.s32 $0xFFFFD8F0;
	s24 =	smov.u32 s28;
	s25 =	sadd.s32 $0x800, s28  }
0x42: {  	[tilespmem:s15], [sflag:$0x1] =	stream.indirect.gather [hbm4b:s4+s14], $0x50, s26, s14, $0xb8;
	[tilespmem:$0x1B440] =	vst v63  }
0x43: {  	p0 =	sne.s32 s28, $0x9800;
	s28 =	sadd.s32 $0x80, s26  }
0x44: {  	[tilespmem:s16], [sflag:$0x2] =	stream.indirect.gather [hbm4b:s4+s14], $0x50, s28, s14, $0xb8;
	[tilespmem:$0x1B440] =	vst v63  }
0x45: {  	s28 =	sadd.s32 $0x100, s26  }
0x46: {  	[tilespmem:s17], [sflag:$0x3] =	stream.indirect.gather [hbm4b:s4+s14], $0x50, s28, s14, $0xb8;
	[tilespmem:$0x1B440] =	vst v63  }
0x47: {  	s28 =	sadd.s32 $0x180, s26  }
0x48: {  	[tilespmem:s18], [sflag:$0x4] =	stream.indirect.gather [hbm4b:s4+s14], $0x50, s28, s14, $0xb8;
	[tilespmem:$0x1B440] =	vst v63  }
0x49: {  	_ =	swait.ge [sflag:s19], $0x2710  }
0x4a: {  	[sflag:s19] =	ssyncset.done $0x0  }
0x4b: {  	s28 =	sadd.s32 $0x2800, s26;
	[sflag:s19] =	ssyncadd.s32 $0xFFFFD8F0  }
0x4c: {  	[spmem:s2] =	stream.indirect.scatter.add.f32 [tilespmem:s15], [sflag:$0x5], $0x50, s28, s14, $0xb8;
	[tilespmem:$0x1B440] =	vst v63  }
0x4d: {  	_ =	swait.ge [sflag:s10], $0x2710  }
0x4e: {  	[sflag:s10] =	ssyncset.done $0x0  }
0x4f: {  	[sflag:s10] =	ssyncadd.s32 $0xFFFFD8F0  }
0x50: {  	_ =	swait.ge [sflag:s20], $0x2710  }
0x51: {  	[sflag:s20] =	ssyncset.done $0x0  }
0x52: {  	s28 =	sadd.s32 $0x2880, s26;
	[sflag:s20] =	ssyncadd.s32 $0xFFFFD8F0  }
0x53: {  	[spmem:s2] =	stream.indirect.scatter.add.f32 [tilespmem:s16], [sflag:$0x5], $0x50, s28, s14, $0xb8;
	[tilespmem:$0x1B440] =	vst v63  }
0x54: {  	_ =	swait.ge [sflag:s10], $0x2710  }
0x55: {  	[sflag:s10] =	ssyncset.done $0x0  }
0x56: {  	[sflag:s10] =	ssyncadd.s32 $0xFFFFD8F0  }
0x57: {  	_ =	swait.ge [sflag:s21], $0x2710  }
0x58: {  	[sflag:s21] =	ssyncset.done $0x0  }
0x59: {  	s28 =	sadd.s32 $0x2900, s26;
	[sflag:s21] =	ssyncadd.s32 $0xFFFFD8F0  }
0x5a: {  	[spmem:s2] =	stream.indirect.scatter.add.f32 [tilespmem:s17], [sflag:$0x5], $0x50, s28, s14, $0xb8;
	[tilespmem:$0x1B440] =	vst v63  }
0x5b: {  	_ =	swait.ge [sflag:s10], $0x2710  }
0x5c: {  	[sflag:s10] =	ssyncset.done $0x0  }
0x5d: {  	[sflag:s10] =	ssyncadd.s32 $0xFFFFD8F0  }
0x5e: {  	_ =	swait.ge [sflag:s22], $0x2710  }
.Ltmp0:
0x5f: {  	[sflag:s22] =	ssyncset.done $0x0;
	(pc) =	sbr.rel @p0 .LBB2_2-.Ltmp0, $4  }
0x60: {  	s26 =	sadd.s32 $0x2980, s26;
	[sflag:s22] =	ssyncadd.s32 $0xFFFFD8F0  }
0x61: {  	[spmem:s2] =	stream.indirect.scatter.add.f32 [tilespmem:s18], [sflag:$0x5], $0x50, s26, s14, $0xb8;
	[tilespmem:$0x1B440] =	vst v63  }
0x62: {  	_ =	swait.ge [sflag:s10], $0x2710  }
0x63: {  	s28 =	smov.u32 s25;
	[sflag:s10] =	ssyncset.done $0x0  }
0x64: {  	s24 =	sshra.s32 s24, $0x2;
	[sflag:s10] =	ssyncadd.s32 $0xFFFFD8F0  }
0x65: {  	[tilespmem:s15], [sflag:$0x1] =	stream.indirect.gather [hbm4b:s4+s14], $0x50, s24, s14, $0xb8;
	[tilespmem:$0x1B440] =	vst v63  }
0x66: {  	s25 =	sadd.s32 $0x80, s24  }
0x67: {  	[tilespmem:s16], [sflag:$0x2] =	stream.indirect.gather [hbm4b:s4+s14], $0x50, s25, s14, $0xb8;
	[tilespmem:$0x1B440] =	vst v63  }
0x68: {  	s26 =	sadd.s32 $0x100, s24  }
0x69: {  	[tilespmem:s17], [sflag:$0x3] =	stream.indirect.gather [hbm4b:s4+s14], $0x50, s26, s14, $0xb8;
	[tilespmem:$0x1B440] =	vst v63  }
0x6a: {  	s28 =	sadd.s32 $0x180, s24  }
0x6b: {  	[tilespmem:s18], [sflag:$0x4] =	stream.indirect.gather [hbm4b:s4+s14], $0x50, s28, s14, $0xb8;
	[tilespmem:$0x1B440] =	vst v63  }
0x6c: {  	_ =	swait.ge [sflag:s19], $0x2710  }
0x6d: {  	[sflag:s19] =	ssyncset.done $0x0  }
0x6e: {  	s29 =	sadd.s32 $0x2800, s24;
	[sflag:s19] =	ssyncadd.s32 $0xFFFFD8F0  }
0x6f: {  	[spmem:s2] =	stream.indirect.scatter.add.f32 [tilespmem:s15], [sflag:$0x5], $0x50, s29, s14, $0xb8;
	[tilespmem:$0x1B440] =	vst v63  }
0x70: {  	_ =	swait.ge [sflag:s10], $0x2710  }
0x71: {  	[sflag:s10] =	ssyncset.done $0x0  }
0x72: {  	[sflag:s10] =	ssyncadd.s32 $0xFFFFD8F0  }
0x73: {  	_ =	swait.ge [sflag:s20], $0x2710  }
0x74: {  	[sflag:s20] =	ssyncset.done $0x0  }
0x75: {  	s30 =	sadd.s32 $0x2880, s24;
	[sflag:s20] =	ssyncadd.s32 $0xFFFFD8F0  }
0x76: {  	[spmem:s2] =	stream.indirect.scatter.add.f32 [tilespmem:s16], [sflag:$0x5], $0x50, s30, s14, $0xb8;
	[tilespmem:$0x1B440] =	vst v63  }
0x77: {  	_ =	swait.ge [sflag:s10], $0x2710  }
0x78: {  	[sflag:s10] =	ssyncset.done $0x0  }
0x79: {  	[sflag:s10] =	ssyncadd.s32 $0xFFFFD8F0  }
0x7a: {  	_ =	swait.ge [sflag:s21], $0x2710  }
0x7b: {  	[sflag:s21] =	ssyncset.done $0x0  }
0x7c: {  	s31 =	sadd.s32 $0x2900, s24;
	[sflag:s21] =	ssyncadd.s32 $0xFFFFD8F0  }
0x7d: {  	[spmem:s2] =	stream.indirect.scatter.add.f32 [tilespmem:s17], [sflag:$0x5], $0x50, s31, s14, $0xb8;
	[tilespmem:$0x1B440] =	vst v63  }
0x7e: {  	_ =	swait.ge [sflag:s10], $0x2710  }
0x7f: {  	[sflag:s10] =	ssyncset.done $0x0  }
0x80: {  	[sflag:s10] =	ssyncadd.s32 $0xFFFFD8F0  }
0x81: {  	_ =	swait.ge [sflag:s22], $0x2710  }
0x82: {  	[sflag:s22] =	ssyncset.done $0x0  }
0x83: {  	s24 =	sadd.s32 $0x2980, s24;
	[sflag:s22] =	ssyncadd.s32 $0xFFFFD8F0  }
0x84: {  	[spmem:s2] =	stream.indirect.scatter.add.f32 [tilespmem:s18], [sflag:$0x5], $0x50, s24, s14, $0xb8;
	[tilespmem:$0x1B440] =	vst v63  }
0x85: {  	_ =	swait.ge [sflag:s10], $0x2710  }
0x86: {  	s23 =	sadd.s32 $0x1, s23;
	[sflag:s10] =	ssyncset.done $0x0  }
0x87: {  	p0 =	sne.s32 s23, s9;
	[sflag:s10] =	ssyncadd.s32 $0xFFFFD8F0  }
.Ltmp1:
0x88: {  	[bflag:$0x0] =	sbarrier.arrive $0xFFFF;
	(pc) =	sbr.rel @p0 .LBB2_1-.Ltmp1, $4  }
0x89: {  	[hbm:s8], [sflag:s12] =	dma.local [spmem:s13], $0x1900  }
0x8a: {  	_ =	swait.ge [sflag:s10], $0x1900  }
0x8b: {  	[sflag:s10] =	ssyncset.done $0x0  }
0x8c: {  	[sflag:s10] =	ssyncadd.s32 $0xFFFFE700  }
0x8d: {  	_ =	sfence.sel $0x180000  }
0x8e: {  	[bflag:$0x0] =	sbarrier.arrive $0xFFFF  }
0x8f: {  	p0 =	sne.s32 s0, $0x0;
	_ =	strace $0x90000047  }
0x90: {  	s0 =	sadd.s32 @!p0 $0x100000, s1;
	[bflag:$0x2] =	sbarrier.arrive $0xFFFF  }
0x91: {  	[sflag:s0] =	ssyncadd.tile.s32 @!p0 $0x1;
	_ =	shalt  }
.Lfunc_end2:
_tile_overlayer_lowered:
.L_overlay_start_2:
0x92: {  	(tag) =	ssettag $0x2  }
0x93: {  	s0 =	rddreg [dreg:$0x0];
	s2 =	stileid.u32  }
0x94: {  	s1 =	rddreg [dreg:$0x1];
	p0 =	sne.s32 s2, $0x0  }
0x95: {  	s3 =	rddreg [dreg:$0x2];
	[bflag:$0x3] =	sbarrier.arrive $0xFFFF;
	s2 =	simm.s32 @!p0 $0x1C05  }
0x96: {  	[timem:s3], [sflag:s2] =	dma.local @!p0 [hbm:s0], s1  }
0x97: {  	s0 =	simm.s32 @!p0 $0x5  }
0x98: {  	_ =	swait.ge @!p0 [sflag:s0], s1  }
0x99: {  	s1 =	ssub.s32 @!p0 $0x0, s1;
	[sflag:s0] =	ssyncset.done @!p0 $0x0  }
0x9a: {  	[sflag:s0] =	ssyncadd.s32 @!p0 s1  }
0x9b: {  	[bflag:$0x3] =	sbarrier.arrive $0xFFFF  }
0x9c: {  	_ =	shalt  }

</sc_bundles>
